<compile_context>
chip_gen: v7x
topology: tpu7x:2x2x1
jax: 0.10.2.dev20260603
libtpu: 0.0.44.dev20260713+nightly
codegen_flags: <defaults>
</compile_context>

<pallas_src>
import jax
import jax.numpy as jnp
from jax import lax
from jax.experimental import pallas as pl
from jax.experimental.pallas import tpu as pltpu
from jax.experimental.pallas import tpu_sc as plsc

BLK_B = 4


def kernel(atomic_numbers, embedding_table):
    B, S = atomic_numbers.shape
    V, D = embedding_table.shape
    idx = atomic_numbers.astype(jnp.int32)
    dtype = embedding_table.dtype

    mesh = plsc.VectorSubcoreMesh(core_axis_name="c", subcore_axis_name="s")

    @pl.kernel(
        out_type=jax.ShapeDtypeStruct((B, S, D), dtype),
        mesh=mesh,
        scratch_types=[
            pltpu.VMEM_SHARED((V, D), dtype),
            pltpu.SemaphoreType.DMA,
        ],
    )
    def gather_kernel(table_hbm, idx_hbm, out_hbm, table_spmem, sem):
        @pl.when(lax.axis_index("s") == 0)
        def _():
            pltpu.sync_copy(table_hbm, table_spmem)

        plsc.subcore_barrier()

        def body(i_vmem, o_vmem):
            copies = [
                pltpu.async_copy(
                    table_spmem.at[i_vmem.at[k]],
                    o_vmem.at[k],
                    sem,
                )
                for k in range(BLK_B)
            ]
            for c in copies:
                c.wait()

        pltpu.emit_pipeline(
            body,
            grid=(B // BLK_B,),
            in_specs=[pl.BlockSpec((BLK_B, S), index_map=lambda i: (i, 0))],
            out_specs=[
                pl.BlockSpec((BLK_B, S, D), index_map=lambda i: (i, 0, 0))
            ],
            core_axis_name=("c", "s"),
            dimension_semantics=(pltpu.PARALLEL,),
        )(idx_hbm, out_hbm)

    return gather_kernel(embedding_table, idx)

# --- scband reference (transcript-rebuilt; emitter-appended) ---
"""Pipeline reference for scband-atom-embedding-66554813219141 (READ-ONLY COPY).

The authoritative reference and input builder live on the scoring server;
editing this copy changes nothing except your own understanding.
"""

import jax, jax.numpy as jnp
import numpy as np

NUM_EMBEDDINGS = 1000
EMBEDDING_DIM = 128

def setup_inputs(seed: int = 0) -> dict:
    key = jax.random.key(seed)
    k_idx, k_tab = jax.random.split(key)
    atomic_numbers = jax.random.randint(k_idx, (4096, 100), 0, NUM_EMBEDDINGS, dtype=jnp.int64 if jax.config.jax_enable_x64 else jnp.int32)
    embedding_table = jax.random.normal(k_tab, (NUM_EMBEDDINGS, EMBEDDING_DIM), dtype=jnp.float32)
    return {"atomic_numbers": atomic_numbers, "embedding_table": embedding_table}

def reference(atomic_numbers, embedding_table):
    # nn.Embedding forward: table row gather by index
    return jnp.take(embedding_table, atomic_numbers, axis=0)

if __name__ == "__main__":
    import jax
    _d = setup_inputs()
    print(jax.jit(kernel)(*tuple(_d.values())))

</pallas_src>

<mosaic_0001>
#map = affine_map<(d0, d1) -> (0, 0)>
#map1 = affine_map<(d0, d1) -> (0, 0, 0)>
module attributes {stable_mosaic.version = 14 : i64} {
  func.func @gather_kernel(%arg0: i32, %arg1: i32, %arg2: memref<1000x128xf32, #tpu.memory_space<hbm>>, %arg3: memref<4096x100xi32, #tpu.memory_space<hbm>>, %arg4: memref<4096x100x128xf32, #tpu.memory_space<hbm>>, %arg5: memref<1000x128xf32, #tpu.memory_space<vmem_shared>>, %arg6: memref<!tpu.dma_semaphore, #tpu.memory_space<semaphore_mem>>) attributes {dimension_semantics = [#tpu.dimension_semantics<core_parallel>, #tpu.dimension_semantics<subcore_parallel>], iteration_bounds = array<i64: 2, 16>, scalar_prefetch = 0 : i64, scratch_operands = 2 : i64, tpu.core_type = #tpu.core_type<sc_vector_subcore>, window_params = [{transform_indices = #map}, {transform_indices = #map}, {transform_indices = #map1}]} {
    %eq3A = arith.constant 0 : i32
    %eq3A_0 = arith.cmpi eq, %arg1, %eq3A : i32
    %convert_element_type3A = arith.extui %eq3A_0 : i1 to i32
    %cond3A = arith.constant 0 : i32
    %cond3A_1 = arith.cmpi ne, %convert_element_type3A, %cond3A : i32
    scf.if %cond3A_1 {
      "tpu.region"() ({
        %run_scoped3A = tpu.sem_alloc : memref<!tpu.dma_semaphore, #tpu.memory_space<semaphore_mem>>
        tpu.enqueue_dma source(%arg2 : memref<1000x128xf32, #tpu.memory_space<hbm>>) target(%arg5 : memref<1000x128xf32, #tpu.memory_space<vmem_shared>>) target_semaphore(%run_scoped3A : memref<!tpu.dma_semaphore, #tpu.memory_space<semaphore_mem>>)
        tpu.wait_dma2 semaphore(%run_scoped3A : memref<!tpu.dma_semaphore, #tpu.memory_space<semaphore_mem>>) src(%arg2 : memref<1000x128xf32, #tpu.memory_space<hbm>>) dst(%arg5 : memref<1000x128xf32, #tpu.memory_space<vmem_shared>>)
        tpu.yield
      }) : () -> ()
    } else {
    }
    %barrier3A = arith.constant 0 : index
    tpu.barrier barrier_id(%barrier3A)
    %mul3A = arith.constant 1 : i32
    %mul3A_2 = arith.muli %arg1, %mul3A : i32
    %add3A = arith.constant 0 : i32
    %add3A_3 = arith.addi %add3A, %mul3A_2 : i32
    %mul3A_4 = arith.constant 16 : i32
    %mul3A_5 = arith.muli %arg0, %mul3A_4 : i32
    %add3A_6 = arith.addi %add3A_3, %mul3A_5 : i32
    %mul3A_7 = arith.constant 32 : i32
    %mul3A_8 = arith.muli %add3A_6, %mul3A_7 : i32
    "tpu.region"() ({
      %run_scoped3A = memref.alloca() : memref<2x4x100xi32, #tpu.memory_space<vmem>>
      %run_scoped3A_9 = tpu.sem_alloc : memref<2x!tpu.dma_semaphore, #tpu.memory_space<semaphore_mem>>
      %run_scoped3A_10 = memref.alloca() : memref<2x4x100x128xf32, #tpu.memory_space<vmem>>
      %run_scoped3A_11 = tpu.sem_alloc : memref<2x!tpu.dma_semaphore, #tpu.memory_space<semaphore_mem>>
      %add3A_12 = arith.constant 0 : i32
      %add3A_13 = arith.addi %add3A_12, %mul3A_8 : i32
      %select_n3A = arith.constant true
      %select_n3A_14 = arith.constant 0 : i32
      %select_n3A_15 = arith.constant -1 : i32
      %select_n3A_16 = arith.select %select_n3A, %select_n3A_15, %select_n3A_14 : i32
      %eq3A_17 = arith.constant -1 : i32
      %eq3A_18 = arith.cmpi eq, %select_n3A_16, %eq3A_17 : i32
      %select_n3A_19 = arith.constant 31 : i32
      %select_n3A_20 = arith.select %eq3A_18, %select_n3A_19, %select_n3A_16 : i32
      %add3A_21 = arith.addi %select_n3A_20, %mul3A_8 : i32
      %select_n3A_22 = arith.constant true
      %select_n3A_23 = arith.constant 0 : i32
      %select_n3A_24 = arith.constant 1 : i32
      %select_n3A_25 = arith.select %select_n3A_22, %select_n3A_24, %select_n3A_23 : i32
      %eq3A_26 = arith.constant 32 : i32
      %eq3A_27 = arith.cmpi eq, %select_n3A_25, %eq3A_26 : i32
      %select_n3A_28 = arith.constant 0 : i32
      %select_n3A_29 = arith.select %eq3A_27, %select_n3A_28, %select_n3A_25 : i32
      %add3A_30 = arith.addi %select_n3A_29, %mul3A_8 : i32
      %add3A_31 = arith.constant 1 : i32
      %add3A_32 = arith.addi %select_n3A_29, %add3A_31 : i32
      %select_n3A_33 = arith.constant true
      %select_n3A_34 = arith.select %select_n3A_33, %add3A_32, %select_n3A_29 : i32
      %eq3A_35 = arith.constant 32 : i32
      %eq3A_36 = arith.cmpi eq, %select_n3A_34, %eq3A_35 : i32
      %select_n3A_37 = arith.constant 0 : i32
      %select_n3A_38 = arith.select %eq3A_36, %select_n3A_37, %select_n3A_34 : i32
      %add3A_39 = arith.addi %select_n3A_38, %mul3A_8 : i32
      "tpu.trace_start"() <{level = 10 : i32, message = "ep_initialize_0"}> : () -> ()
      %rem3A = arith.constant 0 : i32
      %rem3A_40 = arith.constant 2 : i32
      %rem3A_41 = arith.remui %rem3A, %rem3A_40 : i32
      %mul3A_42 = arith.constant 4 : i32
      %mul3A_43 = arith.muli %mul3A_42, %add3A_13 : i32
      %dma_start3A = arith.constant 0 : i32
      %dma_start3A_44 = arith.constant 0 : i32
      %dma_start3A_45 = tpu.memref_slice %run_scoped3A[%rem3A_41, %dma_start3A, %dma_start3A_44] : memref<2x4x100xi32, #tpu.memory_space<vmem>> -> memref<1x4x100xi32, #tpu.memory_space<vmem>>
      %dma_start3A_46 = tpu.memref_squeeze %dma_start3A_45 : memref<1x4x100xi32, #tpu.memory_space<vmem>> -> memref<4x100xi32, #tpu.memory_space<vmem>>
      %dma_start3A_47 = arith.constant 0 : i32
      %dma_start3A_48 = tpu.memref_slice %arg3[%mul3A_43, %dma_start3A_47] : memref<4096x100xi32, #tpu.memory_space<hbm>> -> memref<4x100xi32, #tpu.memory_space<hbm>>
      %dma_start3A_49 = tpu.memref_slice %run_scoped3A_9[%rem3A_41] : memref<2x!tpu.dma_semaphore, #tpu.memory_space<semaphore_mem>> -> memref<1x!tpu.dma_semaphore, #tpu.memory_space<semaphore_mem>>
      %dma_start3A_50 = tpu.memref_squeeze %dma_start3A_49 : memref<1x!tpu.dma_semaphore, #tpu.memory_space<semaphore_mem>> -> memref<!tpu.dma_semaphore, #tpu.memory_space<semaphore_mem>>
      %dma_start3A_51 = arith.constant 0 : i32
      %dma_start3A_52 = arith.constant 0 : i32
      %dma_start3A_53 = tpu.memref_slice %run_scoped3A[%rem3A_41, %dma_start3A_51, %dma_start3A_52] : memref<2x4x100xi32, #tpu.memory_space<vmem>> -> memref<1x4x100xi32, #tpu.memory_space<vmem>>
      %dma_start3A_54 = tpu.memref_squeeze %dma_start3A_53 : memref<1x4x100xi32, #tpu.memory_space<vmem>> -> memref<4x100xi32, #tpu.memory_space<vmem>>
      %dma_start3A_55 = arith.constant 0 : i32
      %dma_start3A_56 = tpu.memref_slice %arg3[%mul3A_43, %dma_start3A_55] : memref<4096x100xi32, #tpu.memory_space<hbm>> -> memref<4x100xi32, #tpu.memory_space<hbm>>
      tpu.enqueue_dma source(%dma_start3A_56 : memref<4x100xi32, #tpu.memory_space<hbm>>) target(%dma_start3A_54 : memref<4x100xi32, #tpu.memory_space<vmem>>) target_semaphore(%dma_start3A_50 : memref<!tpu.dma_semaphore, #tpu.memory_space<semaphore_mem>>)
      %add3A_57 = arith.constant 0 : i32
      %add3A_58 = arith.constant 1 : i32
      %add3A_59 = arith.addi %add3A_57, %add3A_58 : i32
      %select_n3A_60 = arith.constant true
      %select_n3A_61 = arith.constant 0 : i32
      %select_n3A_62 = arith.select %select_n3A_60, %add3A_59, %select_n3A_61 : i32
      "tpu.trace_stop"() : () -> ()
      %scan3A = arith.constant 0 : i32
      %scan3A_63 = arith.constant 0 : i32
      %scan3A_64 = arith.constant 0 : i32
      %scan3A_65 = arith.constant 0 : i32
      %scan3A_66 = arith.constant 0 : i32
      %scan3A_67 = arith.constant 32 : i32
      %scan3A_68 = arith.addi %scan3A_66, %scan3A_67 : i32
      %scan3A_69 = arith.constant 1 : i32
      %scan3A_70:5 = scf.for %scan3A_128 = %scan3A_66 to %scan3A_68 step %scan3A_69 iter_args(%scan3A_129 = %select_n3A_62, %scan3A_130 = %scan3A, %scan3A_131 = %scan3A_63, %scan3A_132 = %scan3A_64, %scan3A_133 = %scan3A_65) -> (i32, i32, i32, i32, i32)  : i32 {
        %eq3A_134 = arith.constant 0 : i32
        %eq3A_135 = arith.cmpi eq, %scan3A_128, %eq3A_134 : i32
        %eq3A_136 = arith.constant 31 : i32
        %eq3A_137 = arith.cmpi eq, %scan3A_128, %eq3A_136 : i32
        %add3A_138 = arith.addi %scan3A_133, %mul3A_8 : i32
        %sub3A_139 = arith.constant 1 : i32
        %sub3A_140 = arith.subi %scan3A_133, %sub3A_139 : i32
        %select_n3A_141 = arith.constant true
        %select_n3A_142 = arith.select %select_n3A_141, %sub3A_140, %scan3A_133 : i32
        %eq3A_143 = arith.constant -1 : i32
        %eq3A_144 = arith.cmpi eq, %select_n3A_142, %eq3A_143 : i32
        %select_n3A_145 = arith.constant 31 : i32
        %select_n3A_146 = arith.select %eq3A_144, %select_n3A_145, %select_n3A_142 : i32
        %add3A_147 = arith.addi %select_n3A_146, %mul3A_8 : i32
        %add3A_148 = arith.constant 1 : i32
        %add3A_149 = arith.addi %scan3A_133, %add3A_148 : i32
        %select_n3A_150 = arith.constant true
        %select_n3A_151 = arith.select %select_n3A_150, %add3A_149, %scan3A_133 : i32
        %eq3A_152 = arith.constant 32 : i32
        %eq3A_153 = arith.cmpi eq, %select_n3A_151, %eq3A_152 : i32
        %select_n3A_154 = arith.constant 0 : i32
        %select_n3A_155 = arith.select %eq3A_153, %select_n3A_154, %select_n3A_151 : i32
        %add3A_156 = arith.addi %select_n3A_155, %mul3A_8 : i32
        %add3A_157 = arith.constant 1 : i32
        %add3A_158 = arith.addi %select_n3A_155, %add3A_157 : i32
        %select_n3A_159 = arith.constant true
        %select_n3A_160 = arith.select %select_n3A_159, %add3A_158, %select_n3A_155 : i32
        %eq3A_161 = arith.constant 32 : i32
        %eq3A_162 = arith.cmpi eq, %select_n3A_160, %eq3A_161 : i32
        %select_n3A_163 = arith.constant 0 : i32
        %select_n3A_164 = arith.select %eq3A_162, %select_n3A_163, %select_n3A_160 : i32
        %add3A_165 = arith.addi %select_n3A_164, %mul3A_8 : i32
        %ne3A = arith.cmpi ne, %add3A_138, %add3A_156 : i32
        %or3A = arith.constant false
        %or3A_166 = arith.ori %or3A, %ne3A : i1
        %or3A_167 = arith.constant false
        %or3A_168 = arith.ori %or3A_166, %or3A_167 : i1
        %ge3A = arith.constant 31 : i32
        %ge3A_169 = arith.cmpi sge, %scan3A_128, %ge3A : i32
        %not3A = arith.constant true
        %not3A_170 = arith.xori %ge3A_169, %not3A : i1
        %and3A = arith.andi %or3A_168, %not3A_170 : i1
        %convert_element_type3A_171 = arith.extui %and3A : i1 to i32
        %cond3A_172 = arith.constant 0 : i32
        %cond3A_173 = arith.cmpi ne, %convert_element_type3A_171, %cond3A_172 : i32
        scf.if %cond3A_173 {
          "tpu.trace_start"() <{level = 10 : i32, message = "ep_copy_in"}> : () -> ()
          %rem3A_458 = arith.constant 2 : i32
          %rem3A_459 = arith.remui %scan3A_129, %rem3A_458 : i32
          %mul3A_460 = arith.constant 4 : i32
          %mul3A_461 = arith.muli %mul3A_460, %add3A_156 : i32
          %dma_start3A_462 = arith.constant 0 : i32
          %dma_start3A_463 = arith.constant 0 : i32
          %dma_start3A_464 = tpu.memref_slice %run_scoped3A[%rem3A_459, %dma_start3A_462, %dma_start3A_463] : memref<2x4x100xi32, #tpu.memory_space<vmem>> -> memref<1x4x100xi32, #tpu.memory_space<vmem>>
          %dma_start3A_465 = tpu.memref_squeeze %dma_start3A_464 : memref<1x4x100xi32, #tpu.memory_space<vmem>> -> memref<4x100xi32, #tpu.memory_space<vmem>>
          %dma_start3A_466 = arith.constant 0 : i32
          %dma_start3A_467 = tpu.memref_slice %arg3[%mul3A_461, %dma_start3A_466] : memref<4096x100xi32, #tpu.memory_space<hbm>> -> memref<4x100xi32, #tpu.memory_space<hbm>>
          %dma_start3A_468 = tpu.memref_slice %run_scoped3A_9[%rem3A_459] : memref<2x!tpu.dma_semaphore, #tpu.memory_space<semaphore_mem>> -> memref<1x!tpu.dma_semaphore, #tpu.memory_space<semaphore_mem>>
          %dma_start3A_469 = tpu.memref_squeeze %dma_start3A_468 : memref<1x!tpu.dma_semaphore, #tpu.memory_space<semaphore_mem>> -> memref<!tpu.dma_semaphore, #tpu.memory_space<semaphore_mem>>
          %dma_start3A_470 = arith.constant 0 : i32
          %dma_start3A_471 = arith.constant 0 : i32
          %dma_start3A_472 = tpu.memref_slice %run_scoped3A[%rem3A_459, %dma_start3A_470, %dma_start3A_471] : memref<2x4x100xi32, #tpu.memory_space<vmem>> -> memref<1x4x100xi32, #tpu.memory_space<vmem>>
          %dma_start3A_473 = tpu.memref_squeeze %dma_start3A_472 : memref<1x4x100xi32, #tpu.memory_space<vmem>> -> memref<4x100xi32, #tpu.memory_space<vmem>>
          %dma_start3A_474 = arith.constant 0 : i32
          %dma_start3A_475 = tpu.memref_slice %arg3[%mul3A_461, %dma_start3A_474] : memref<4096x100xi32, #tpu.memory_space<hbm>> -> memref<4x100xi32, #tpu.memory_space<hbm>>
          tpu.enqueue_dma source(%dma_start3A_475 : memref<4x100xi32, #tpu.memory_space<hbm>>) target(%dma_start3A_473 : memref<4x100xi32, #tpu.memory_space<vmem>>) target_semaphore(%dma_start3A_469 : memref<!tpu.dma_semaphore, #tpu.memory_space<semaphore_mem>>)
          "tpu.trace_stop"() : () -> ()
        } else {
        }
        %and3A_174 = arith.constant true
        %and3A_175 = arith.andi %and3A, %and3A_174 : i1
        %add3A_176 = arith.constant 1 : i32
        %add3A_177 = arith.addi %scan3A_129, %add3A_176 : i32
        %select_n3A_178 = arith.select %and3A_175, %add3A_177, %scan3A_129 : i32
        %ne3A_179 = arith.cmpi ne, %add3A_138, %add3A_156 : i32
        %or3A_180 = arith.constant false
        %or3A_181 = arith.ori %or3A_180, %ne3A_179 : i1
        %or3A_182 = arith.constant false
        %or3A_183 = arith.ori %or3A_181, %or3A_182 : i1
        %or3A_184 = arith.constant false
        %or3A_185 = arith.ori %or3A_183, %or3A_184 : i1
        %ge3A_186 = arith.constant 31 : i32
        %ge3A_187 = arith.cmpi sge, %scan3A_128, %ge3A_186 : i32
        %not3A_188 = arith.constant true
        %not3A_189 = arith.xori %ge3A_187, %not3A_188 : i1
        %and3A_190 = arith.andi %or3A_185, %not3A_189 : i1
        %ne3A_191 = arith.cmpi ne, %add3A_138, %add3A_147 : i32
        %or3A_192 = arith.constant false
        %or3A_193 = arith.ori %or3A_192, %ne3A_191 : i1
        %or3A_194 = arith.constant false
        %or3A_195 = arith.ori %or3A_193, %or3A_194 : i1
        %or3A_196 = arith.ori %or3A_195, %eq3A_135 : i1
        %convert_element_type3A_197 = arith.extui %or3A_196 : i1 to i32
        %cond3A_198 = arith.constant 0 : i32
        %cond3A_199 = arith.cmpi ne, %convert_element_type3A_197, %cond3A_198 : i32
        scf.if %cond3A_199 {
          "tpu.trace_start"() <{level = 10 : i32, message = "ep_wait_in"}> : () -> ()
          %mul3A_458 = arith.constant 4 : i32
          %mul3A_459 = arith.muli %mul3A_458, %add3A_138 : i32
          %rem3A_460 = arith.constant 2 : i32
          %rem3A_461 = arith.remui %scan3A_130, %rem3A_460 : i32
          %dma_wait3A_462 = arith.constant 0 : i32
          %dma_wait3A_463 = arith.constant 0 : i32
          %dma_wait3A_464 = tpu.memref_slice %run_scoped3A[%rem3A_461, %dma_wait3A_462, %dma_wait3A_463] : memref<2x4x100xi32, #tpu.memory_space<vmem>> -> memref<1x4x100xi32, #tpu.memory_space<vmem>>
          %dma_wait3A_465 = tpu.memref_squeeze %dma_wait3A_464 : memref<1x4x100xi32, #tpu.memory_space<vmem>> -> memref<4x100xi32, #tpu.memory_space<vmem>>
          %dma_wait3A_466 = arith.constant 0 : i32
          %dma_wait3A_467 = tpu.memref_slice %arg3[%mul3A_459, %dma_wait3A_466] : memref<4096x100xi32, #tpu.memory_space<hbm>> -> memref<4x100xi32, #tpu.memory_space<hbm>>
          %dma_wait3A_468 = tpu.memref_slice %run_scoped3A_9[%rem3A_461] : memref<2x!tpu.dma_semaphore, #tpu.memory_space<semaphore_mem>> -> memref<1x!tpu.dma_semaphore, #tpu.memory_space<semaphore_mem>>
          %dma_wait3A_469 = tpu.memref_squeeze %dma_wait3A_468 : memref<1x!tpu.dma_semaphore, #tpu.memory_space<semaphore_mem>> -> memref<!tpu.dma_semaphore, #tpu.memory_space<semaphore_mem>>
          %dma_wait3A_470 = arith.constant 0 : i32
          %dma_wait3A_471 = arith.constant 0 : i32
          %dma_wait3A_472 = tpu.memref_slice %run_scoped3A[%rem3A_461, %dma_wait3A_470, %dma_wait3A_471] : memref<2x4x100xi32, #tpu.memory_space<vmem>> -> memref<1x4x100xi32, #tpu.memory_space<vmem>>
          %dma_wait3A_473 = tpu.memref_squeeze %dma_wait3A_472 : memref<1x4x100xi32, #tpu.memory_space<vmem>> -> memref<4x100xi32, #tpu.memory_space<vmem>>
          %dma_wait3A_474 = arith.constant 0 : i32
          %dma_wait3A_475 = tpu.memref_slice %arg3[%mul3A_459, %dma_wait3A_474] : memref<4096x100xi32, #tpu.memory_space<hbm>> -> memref<4x100xi32, #tpu.memory_space<hbm>>
          tpu.wait_dma2 semaphore(%dma_wait3A_469 : memref<!tpu.dma_semaphore, #tpu.memory_space<semaphore_mem>>) src(%dma_wait3A_475 : memref<4x100xi32, #tpu.memory_space<hbm>>) dst(%dma_wait3A_473 : memref<4x100xi32, #tpu.memory_space<vmem>>)
          "tpu.trace_stop"() : () -> ()
        } else {
        }
        %ne3A_200 = arith.cmpi ne, %add3A_138, %add3A_147 : i32
        %or3A_201 = arith.constant false
        %or3A_202 = arith.ori %or3A_201, %ne3A_200 : i1
        %or3A_203 = arith.constant false
        %or3A_204 = arith.ori %or3A_202, %or3A_203 : i1
        %or3A_205 = arith.constant false
        %or3A_206 = arith.ori %or3A_204, %or3A_205 : i1
        %or3A_207 = arith.ori %or3A_206, %eq3A_135 : i1
        %convert_element_type3A_208 = arith.extui %or3A_207 : i1 to i32
        %cond3A_209 = arith.constant 0 : i32
        %cond3A_210 = arith.cmpi ne, %convert_element_type3A_208, %cond3A_209 : i32
        scf.if %cond3A_210 {
        } else {
        }
        %rem3A_211 = arith.constant 2 : i32
        %rem3A_212 = arith.remui %scan3A_130, %rem3A_211 : i32
        %rem3A_213 = arith.constant 2 : i32
        %rem3A_214 = arith.remui %scan3A_131, %rem3A_213 : i32
        %dma_start3A_215 = arith.constant 0 : i32
        %dma_start3A_216 = arith.constant 0 : i32
        "tpu.trace_start"() <{level = 10 : i32, message = "ep_run_kernel"}> : () -> ()
        %dma_start3A_217 = arith.constant 0 : i32
        %dma_start3A_218 = arith.constant 0 : i32
        %dma_start3A_219 = arith.constant 0 : i32
        %dma_start3A_220 = tpu.memref_slice %run_scoped3A_10[%rem3A_214, %dma_start3A_217, %dma_start3A_218, %dma_start3A_219] : memref<2x4x100x128xf32, #tpu.memory_space<vmem>> -> memref<1x4x100x128xf32, #tpu.memory_space<vmem>>
        %dma_start3A_221 = tpu.memref_squeeze %dma_start3A_220 : memref<1x4x100x128xf32, #tpu.memory_space<vmem>> -> memref<4x100x128xf32, #tpu.memory_space<vmem>>
        %dma_start3A_222 = arith.constant 0 : i32
        %dma_start3A_223 = arith.constant 0 : i32
        %dma_start3A_224 = tpu.memref_slice %dma_start3A_221[%dma_start3A_216, %dma_start3A_222, %dma_start3A_223] : memref<4x100x128xf32, #tpu.memory_space<vmem>> -> memref<1x100x128xf32, #tpu.memory_space<vmem>>
        %dma_start3A_225 = tpu.memref_squeeze %dma_start3A_224 : memref<1x100x128xf32, #tpu.memory_space<vmem>> -> memref<100x128xf32, #tpu.memory_space<vmem>>
        %dma_start3A_226 = arith.constant 0 : i32
        %dma_start3A_227 = arith.constant 0 : i32
        %dma_start3A_228 = tpu.memref_slice %run_scoped3A[%rem3A_212, %dma_start3A_226, %dma_start3A_227] : memref<2x4x100xi32, #tpu.memory_space<vmem>> -> memref<1x4x100xi32, #tpu.memory_space<vmem>>
        %dma_start3A_229 = tpu.memref_squeeze %dma_start3A_228 : memref<1x4x100xi32, #tpu.memory_space<vmem>> -> memref<4x100xi32, #tpu.memory_space<vmem>>
        %dma_start3A_230 = arith.constant 0 : i32
        %dma_start3A_231 = tpu.memref_slice %dma_start3A_229[%dma_start3A_215, %dma_start3A_230] : memref<4x100xi32, #tpu.memory_space<vmem>> -> memref<1x100xi32, #tpu.memory_space<vmem>>
        %dma_start3A_232 = tpu.memref_squeeze %dma_start3A_231 : memref<1x100xi32, #tpu.memory_space<vmem>> -> memref<100xi32, #tpu.memory_space<vmem>>
        %dma_start3A_233 = arith.constant 0 : i32
        %dma_start3A_234 = arith.constant 0 : i32
        %dma_start3A_235 = tpu.memref_slice %arg5[%dma_start3A_233, %dma_start3A_234] : memref<1000x128xf32, #tpu.memory_space<vmem_shared>> -> memref<1000x128xf32, #tpu.memory_space<vmem_shared>>
        tpu.enqueue_indirect_dma source(%dma_start3A_235 : memref<1000x128xf32, #tpu.memory_space<vmem_shared>>) target(%dma_start3A_225 : memref<100x128xf32, #tpu.memory_space<vmem>>) offsets(%dma_start3A_232 : memref<100xi32, #tpu.memory_space<vmem>>) semaphore(%arg6 : memref<!tpu.dma_semaphore, #tpu.memory_space<semaphore_mem>>)
        %dma_start3A_236 = arith.constant 1 : i32
        %dma_start3A_237 = arith.constant 1 : i32
        %dma_start3A_238 = arith.constant 0 : i32
        %dma_start3A_239 = arith.constant 0 : i32
        %dma_start3A_240 = arith.constant 0 : i32
        %dma_start3A_241 = tpu.memref_slice %run_scoped3A_10[%rem3A_214, %dma_start3A_238, %dma_start3A_239, %dma_start3A_240] : memref<2x4x100x128xf32, #tpu.memory_space<vmem>> -> memref<1x4x100x128xf32, #tpu.memory_space<vmem>>
        %dma_start3A_242 = tpu.memref_squeeze %dma_start3A_241 : memref<1x4x100x128xf32, #tpu.memory_space<vmem>> -> memref<4x100x128xf32, #tpu.memory_space<vmem>>
        %dma_start3A_243 = arith.constant 0 : i32
        %dma_start3A_244 = arith.constant 0 : i32
        %dma_start3A_245 = tpu.memref_slice %dma_start3A_242[%dma_start3A_237, %dma_start3A_243, %dma_start3A_244] : memref<4x100x128xf32, #tpu.memory_space<vmem>> -> memref<1x100x128xf32, #tpu.memory_space<vmem>>
        %dma_start3A_246 = tpu.memref_squeeze %dma_start3A_245 : memref<1x100x128xf32, #tpu.memory_space<vmem>> -> memref<100x128xf32, #tpu.memory_space<vmem>>
        %dma_start3A_247 = arith.constant 0 : i32
        %dma_start3A_248 = arith.constant 0 : i32
        %dma_start3A_249 = tpu.memref_slice %run_scoped3A[%rem3A_212, %dma_start3A_247, %dma_start3A_248] : memref<2x4x100xi32, #tpu.memory_space<vmem>> -> memref<1x4x100xi32, #tpu.memory_space<vmem>>
        %dma_start3A_250 = tpu.memref_squeeze %dma_start3A_249 : memref<1x4x100xi32, #tpu.memory_space<vmem>> -> memref<4x100xi32, #tpu.memory_space<vmem>>
        %dma_start3A_251 = arith.constant 0 : i32
        %dma_start3A_252 = tpu.memref_slice %dma_start3A_250[%dma_start3A_236, %dma_start3A_251] : memref<4x100xi32, #tpu.memory_space<vmem>> -> memref<1x100xi32, #tpu.memory_space<vmem>>
        %dma_start3A_253 = tpu.memref_squeeze %dma_start3A_252 : memref<1x100xi32, #tpu.memory_space<vmem>> -> memref<100xi32, #tpu.memory_space<vmem>>
        %dma_start3A_254 = arith.constant 0 : i32
        %dma_start3A_255 = arith.constant 0 : i32
        %dma_start3A_256 = tpu.memref_slice %arg5[%dma_start3A_254, %dma_start3A_255] : memref<1000x128xf32, #tpu.memory_space<vmem_shared>> -> memref<1000x128xf32, #tpu.memory_space<vmem_shared>>
        tpu.enqueue_indirect_dma source(%dma_start3A_256 : memref<1000x128xf32, #tpu.memory_space<vmem_shared>>) target(%dma_start3A_246 : memref<100x128xf32, #tpu.memory_space<vmem>>) offsets(%dma_start3A_253 : memref<100xi32, #tpu.memory_space<vmem>>) semaphore(%arg6 : memref<!tpu.dma_semaphore, #tpu.memory_space<semaphore_mem>>)
        %dma_start3A_257 = arith.constant 2 : i32
        %dma_start3A_258 = arith.constant 2 : i32
        %dma_start3A_259 = arith.constant 0 : i32
        %dma_start3A_260 = arith.constant 0 : i32
        %dma_start3A_261 = arith.constant 0 : i32
        %dma_start3A_262 = tpu.memref_slice %run_scoped3A_10[%rem3A_214, %dma_start3A_259, %dma_start3A_260, %dma_start3A_261] : memref<2x4x100x128xf32, #tpu.memory_space<vmem>> -> memref<1x4x100x128xf32, #tpu.memory_space<vmem>>
        %dma_start3A_263 = tpu.memref_squeeze %dma_start3A_262 : memref<1x4x100x128xf32, #tpu.memory_space<vmem>> -> memref<4x100x128xf32, #tpu.memory_space<vmem>>
        %dma_start3A_264 = arith.constant 0 : i32
        %dma_start3A_265 = arith.constant 0 : i32
        %dma_start3A_266 = tpu.memref_slice %dma_start3A_263[%dma_start3A_258, %dma_start3A_264, %dma_start3A_265] : memref<4x100x128xf32, #tpu.memory_space<vmem>> -> memref<1x100x128xf32, #tpu.memory_space<vmem>>
        %dma_start3A_267 = tpu.memref_squeeze %dma_start3A_266 : memref<1x100x128xf32, #tpu.memory_space<vmem>> -> memref<100x128xf32, #tpu.memory_space<vmem>>
        %dma_start3A_268 = arith.constant 0 : i32
        %dma_start3A_269 = arith.constant 0 : i32
        %dma_start3A_270 = tpu.memref_slice %run_scoped3A[%rem3A_212, %dma_start3A_268, %dma_start3A_269] : memref<2x4x100xi32, #tpu.memory_space<vmem>> -> memref<1x4x100xi32, #tpu.memory_space<vmem>>
        %dma_start3A_271 = tpu.memref_squeeze %dma_start3A_270 : memref<1x4x100xi32, #tpu.memory_space<vmem>> -> memref<4x100xi32, #tpu.memory_space<vmem>>
        %dma_start3A_272 = arith.constant 0 : i32
        %dma_start3A_273 = tpu.memref_slice %dma_start3A_271[%dma_start3A_257, %dma_start3A_272] : memref<4x100xi32, #tpu.memory_space<vmem>> -> memref<1x100xi32, #tpu.memory_space<vmem>>
        %dma_start3A_274 = tpu.memref_squeeze %dma_start3A_273 : memref<1x100xi32, #tpu.memory_space<vmem>> -> memref<100xi32, #tpu.memory_space<vmem>>
        %dma_start3A_275 = arith.constant 0 : i32
        %dma_start3A_276 = arith.constant 0 : i32
        %dma_start3A_277 = tpu.memref_slice %arg5[%dma_start3A_275, %dma_start3A_276] : memref<1000x128xf32, #tpu.memory_space<vmem_shared>> -> memref<1000x128xf32, #tpu.memory_space<vmem_shared>>
        tpu.enqueue_indirect_dma source(%dma_start3A_277 : memref<1000x128xf32, #tpu.memory_space<vmem_shared>>) target(%dma_start3A_267 : memref<100x128xf32, #tpu.memory_space<vmem>>) offsets(%dma_start3A_274 : memref<100xi32, #tpu.memory_space<vmem>>) semaphore(%arg6 : memref<!tpu.dma_semaphore, #tpu.memory_space<semaphore_mem>>)
        %dma_start3A_278 = arith.constant 3 : i32
        %dma_start3A_279 = arith.constant 3 : i32
        %dma_start3A_280 = arith.constant 0 : i32
        %dma_start3A_281 = arith.constant 0 : i32
        %dma_start3A_282 = arith.constant 0 : i32
        %dma_start3A_283 = tpu.memref_slice %run_scoped3A_10[%rem3A_214, %dma_start3A_280, %dma_start3A_281, %dma_start3A_282] : memref<2x4x100x128xf32, #tpu.memory_space<vmem>> -> memref<1x4x100x128xf32, #tpu.memory_space<vmem>>
        %dma_start3A_284 = tpu.memref_squeeze %dma_start3A_283 : memref<1x4x100x128xf32, #tpu.memory_space<vmem>> -> memref<4x100x128xf32, #tpu.memory_space<vmem>>
        %dma_start3A_285 = arith.constant 0 : i32
        %dma_start3A_286 = arith.constant 0 : i32
        %dma_start3A_287 = tpu.memref_slice %dma_start3A_284[%dma_start3A_279, %dma_start3A_285, %dma_start3A_286] : memref<4x100x128xf32, #tpu.memory_space<vmem>> -> memref<1x100x128xf32, #tpu.memory_space<vmem>>
        %dma_start3A_288 = tpu.memref_squeeze %dma_start3A_287 : memref<1x100x128xf32, #tpu.memory_space<vmem>> -> memref<100x128xf32, #tpu.memory_space<vmem>>
        %dma_start3A_289 = arith.constant 0 : i32
        %dma_start3A_290 = arith.constant 0 : i32
        %dma_start3A_291 = tpu.memref_slice %run_scoped3A[%rem3A_212, %dma_start3A_289, %dma_start3A_290] : memref<2x4x100xi32, #tpu.memory_space<vmem>> -> memref<1x4x100xi32, #tpu.memory_space<vmem>>
        %dma_start3A_292 = tpu.memref_squeeze %dma_start3A_291 : memref<1x4x100xi32, #tpu.memory_space<vmem>> -> memref<4x100xi32, #tpu.memory_space<vmem>>
        %dma_start3A_293 = arith.constant 0 : i32
        %dma_start3A_294 = tpu.memref_slice %dma_start3A_292[%dma_start3A_278, %dma_start3A_293] : memref<4x100xi32, #tpu.memory_space<vmem>> -> memref<1x100xi32, #tpu.memory_space<vmem>>
        %dma_start3A_295 = tpu.memref_squeeze %dma_start3A_294 : memref<1x100xi32, #tpu.memory_space<vmem>> -> memref<100xi32, #tpu.memory_space<vmem>>
        %dma_start3A_296 = arith.constant 0 : i32
        %dma_start3A_297 = arith.constant 0 : i32
        %dma_start3A_298 = tpu.memref_slice %arg5[%dma_start3A_296, %dma_start3A_297] : memref<1000x128xf32, #tpu.memory_space<vmem_shared>> -> memref<1000x128xf32, #tpu.memory_space<vmem_shared>>
        tpu.enqueue_indirect_dma source(%dma_start3A_298 : memref<1000x128xf32, #tpu.memory_space<vmem_shared>>) target(%dma_start3A_288 : memref<100x128xf32, #tpu.memory_space<vmem>>) offsets(%dma_start3A_295 : memref<100xi32, #tpu.memory_space<vmem>>) semaphore(%arg6 : memref<!tpu.dma_semaphore, #tpu.memory_space<semaphore_mem>>)
        %dma_wait3A_299 = arith.constant 0 : i32
        %dma_wait3A_300 = arith.constant 0 : i32
        %dma_wait3A_301 = arith.constant 0 : i32
        %dma_wait3A_302 = arith.constant 0 : i32
        %dma_wait3A_303 = arith.constant 0 : i32
        %dma_wait3A_304 = tpu.memref_slice %run_scoped3A_10[%rem3A_214, %dma_wait3A_301, %dma_wait3A_302, %dma_wait3A_303] : memref<2x4x100x128xf32, #tpu.memory_space<vmem>> -> memref<1x4x100x128xf32, #tpu.memory_space<vmem>>
        %dma_wait3A_305 = tpu.memref_squeeze %dma_wait3A_304 : memref<1x4x100x128xf32, #tpu.memory_space<vmem>> -> memref<4x100x128xf32, #tpu.memory_space<vmem>>
        %dma_wait3A_306 = arith.constant 0 : i32
        %dma_wait3A_307 = arith.constant 0 : i32
        %dma_wait3A_308 = tpu.memref_slice %dma_wait3A_305[%dma_wait3A_300, %dma_wait3A_306, %dma_wait3A_307] : memref<4x100x128xf32, #tpu.memory_space<vmem>> -> memref<1x100x128xf32, #tpu.memory_space<vmem>>
        %dma_wait3A_309 = tpu.memref_squeeze %dma_wait3A_308 : memref<1x100x128xf32, #tpu.memory_space<vmem>> -> memref<100x128xf32, #tpu.memory_space<vmem>>
        %dma_wait3A_310 = arith.constant 0 : i32
        %dma_wait3A_311 = arith.constant 0 : i32
        %dma_wait3A_312 = tpu.memref_slice %run_scoped3A[%rem3A_212, %dma_wait3A_310, %dma_wait3A_311] : memref<2x4x100xi32, #tpu.memory_space<vmem>> -> memref<1x4x100xi32, #tpu.memory_space<vmem>>
        %dma_wait3A_313 = tpu.memref_squeeze %dma_wait3A_312 : memref<1x4x100xi32, #tpu.memory_space<vmem>> -> memref<4x100xi32, #tpu.memory_space<vmem>>
        %dma_wait3A_314 = arith.constant 0 : i32
        %dma_wait3A_315 = tpu.memref_slice %dma_wait3A_313[%dma_wait3A_299, %dma_wait3A_314] : memref<4x100xi32, #tpu.memory_space<vmem>> -> memref<1x100xi32, #tpu.memory_space<vmem>>
        %dma_wait3A_316 = tpu.memref_squeeze %dma_wait3A_315 : memref<1x100xi32, #tpu.memory_space<vmem>> -> memref<100xi32, #tpu.memory_space<vmem>>
        %dma_wait3A_317 = arith.constant 0 : i32
        %dma_wait3A_318 = arith.constant 0 : i32
        %dma_wait3A_319 = tpu.memref_slice %arg5[%dma_wait3A_317, %dma_wait3A_318] : memref<1000x128xf32, #tpu.memory_space<vmem_shared>> -> memref<1000x128xf32, #tpu.memory_space<vmem_shared>>
        tpu.wait_indirect_dma semaphore(%arg6 : memref<!tpu.dma_semaphore, #tpu.memory_space<semaphore_mem>>) src(%dma_wait3A_319 : memref<1000x128xf32, #tpu.memory_space<vmem_shared>>) dst(%dma_wait3A_309 : memref<100x128xf32, #tpu.memory_space<vmem>>)
        %dma_wait3A_320 = arith.constant 1 : i32
        %dma_wait3A_321 = arith.constant 1 : i32
        %dma_wait3A_322 = arith.constant 0 : i32
        %dma_wait3A_323 = arith.constant 0 : i32
        %dma_wait3A_324 = arith.constant 0 : i32
        %dma_wait3A_325 = tpu.memref_slice %run_scoped3A_10[%rem3A_214, %dma_wait3A_322, %dma_wait3A_323, %dma_wait3A_324] : memref<2x4x100x128xf32, #tpu.memory_space<vmem>> -> memref<1x4x100x128xf32, #tpu.memory_space<vmem>>
        %dma_wait3A_326 = tpu.memref_squeeze %dma_wait3A_325 : memref<1x4x100x128xf32, #tpu.memory_space<vmem>> -> memref<4x100x128xf32, #tpu.memory_space<vmem>>
        %dma_wait3A_327 = arith.constant 0 : i32
        %dma_wait3A_328 = arith.constant 0 : i32
        %dma_wait3A_329 = tpu.memref_slice %dma_wait3A_326[%dma_wait3A_321, %dma_wait3A_327, %dma_wait3A_328] : memref<4x100x128xf32, #tpu.memory_space<vmem>> -> memref<1x100x128xf32, #tpu.memory_space<vmem>>
        %dma_wait3A_330 = tpu.memref_squeeze %dma_wait3A_329 : memref<1x100x128xf32, #tpu.memory_space<vmem>> -> memref<100x128xf32, #tpu.memory_space<vmem>>
        %dma_wait3A_331 = arith.constant 0 : i32
        %dma_wait3A_332 = arith.constant 0 : i32
        %dma_wait3A_333 = tpu.memref_slice %run_scoped3A[%rem3A_212, %dma_wait3A_331, %dma_wait3A_332] : memref<2x4x100xi32, #tpu.memory_space<vmem>> -> memref<1x4x100xi32, #tpu.memory_space<vmem>>
        %dma_wait3A_334 = tpu.memref_squeeze %dma_wait3A_333 : memref<1x4x100xi32, #tpu.memory_space<vmem>> -> memref<4x100xi32, #tpu.memory_space<vmem>>
        %dma_wait3A_335 = arith.constant 0 : i32
        %dma_wait3A_336 = tpu.memref_slice %dma_wait3A_334[%dma_wait3A_320, %dma_wait3A_335] : memref<4x100xi32, #tpu.memory_space<vmem>> -> memref<1x100xi32, #tpu.memory_space<vmem>>
        %dma_wait3A_337 = tpu.memref_squeeze %dma_wait3A_336 : memref<1x100xi32, #tpu.memory_space<vmem>> -> memref<100xi32, #tpu.memory_space<vmem>>
        %dma_wait3A_338 = arith.constant 0 : i32
        %dma_wait3A_339 = arith.constant 0 : i32
        %dma_wait3A_340 = tpu.memref_slice %arg5[%dma_wait3A_338, %dma_wait3A_339] : memref<1000x128xf32, #tpu.memory_space<vmem_shared>> -> memref<1000x128xf32, #tpu.memory_space<vmem_shared>>
        tpu.wait_indirect_dma semaphore(%arg6 : memref<!tpu.dma_semaphore, #tpu.memory_space<semaphore_mem>>) src(%dma_wait3A_340 : memref<1000x128xf32, #tpu.memory_space<vmem_shared>>) dst(%dma_wait3A_330 : memref<100x128xf32, #tpu.memory_space<vmem>>)
        %dma_wait3A_341 = arith.constant 2 : i32
        %dma_wait3A_342 = arith.constant 2 : i32
        %dma_wait3A_343 = arith.constant 0 : i32
        %dma_wait3A_344 = arith.constant 0 : i32
        %dma_wait3A_345 = arith.constant 0 : i32
        %dma_wait3A_346 = tpu.memref_slice %run_scoped3A_10[%rem3A_214, %dma_wait3A_343, %dma_wait3A_344, %dma_wait3A_345] : memref<2x4x100x128xf32, #tpu.memory_space<vmem>> -> memref<1x4x100x128xf32, #tpu.memory_space<vmem>>
        %dma_wait3A_347 = tpu.memref_squeeze %dma_wait3A_346 : memref<1x4x100x128xf32, #tpu.memory_space<vmem>> -> memref<4x100x128xf32, #tpu.memory_space<vmem>>
        %dma_wait3A_348 = arith.constant 0 : i32
        %dma_wait3A_349 = arith.constant 0 : i32
        %dma_wait3A_350 = tpu.memref_slice %dma_wait3A_347[%dma_wait3A_342, %dma_wait3A_348, %dma_wait3A_349] : memref<4x100x128xf32, #tpu.memory_space<vmem>> -> memref<1x100x128xf32, #tpu.memory_space<vmem>>
        %dma_wait3A_351 = tpu.memref_squeeze %dma_wait3A_350 : memref<1x100x128xf32, #tpu.memory_space<vmem>> -> memref<100x128xf32, #tpu.memory_space<vmem>>
        %dma_wait3A_352 = arith.constant 0 : i32
        %dma_wait3A_353 = arith.constant 0 : i32
        %dma_wait3A_354 = tpu.memref_slice %run_scoped3A[%rem3A_212, %dma_wait3A_352, %dma_wait3A_353] : memref<2x4x100xi32, #tpu.memory_space<vmem>> -> memref<1x4x100xi32, #tpu.memory_space<vmem>>
        %dma_wait3A_355 = tpu.memref_squeeze %dma_wait3A_354 : memref<1x4x100xi32, #tpu.memory_space<vmem>> -> memref<4x100xi32, #tpu.memory_space<vmem>>
        %dma_wait3A_356 = arith.constant 0 : i32
        %dma_wait3A_357 = tpu.memref_slice %dma_wait3A_355[%dma_wait3A_341, %dma_wait3A_356] : memref<4x100xi32, #tpu.memory_space<vmem>> -> memref<1x100xi32, #tpu.memory_space<vmem>>
        %dma_wait3A_358 = tpu.memref_squeeze %dma_wait3A_357 : memref<1x100xi32, #tpu.memory_space<vmem>> -> memref<100xi32, #tpu.memory_space<vmem>>
        %dma_wait3A_359 = arith.constant 0 : i32
        %dma_wait3A_360 = arith.constant 0 : i32
        %dma_wait3A_361 = tpu.memref_slice %arg5[%dma_wait3A_359, %dma_wait3A_360] : memref<1000x128xf32, #tpu.memory_space<vmem_shared>> -> memref<1000x128xf32, #tpu.memory_space<vmem_shared>>
        tpu.wait_indirect_dma semaphore(%arg6 : memref<!tpu.dma_semaphore, #tpu.memory_space<semaphore_mem>>) src(%dma_wait3A_361 : memref<1000x128xf32, #tpu.memory_space<vmem_shared>>) dst(%dma_wait3A_351 : memref<100x128xf32, #tpu.memory_space<vmem>>)
        %dma_wait3A_362 = arith.constant 3 : i32
        %dma_wait3A_363 = arith.constant 3 : i32
        %dma_wait3A_364 = arith.constant 0 : i32
        %dma_wait3A_365 = arith.constant 0 : i32
        %dma_wait3A_366 = arith.constant 0 : i32
        %dma_wait3A_367 = tpu.memref_slice %run_scoped3A_10[%rem3A_214, %dma_wait3A_364, %dma_wait3A_365, %dma_wait3A_366] : memref<2x4x100x128xf32, #tpu.memory_space<vmem>> -> memref<1x4x100x128xf32, #tpu.memory_space<vmem>>
        %dma_wait3A_368 = tpu.memref_squeeze %dma_wait3A_367 : memref<1x4x100x128xf32, #tpu.memory_space<vmem>> -> memref<4x100x128xf32, #tpu.memory_space<vmem>>
        %dma_wait3A_369 = arith.constant 0 : i32
        %dma_wait3A_370 = arith.constant 0 : i32
        %dma_wait3A_371 = tpu.memref_slice %dma_wait3A_368[%dma_wait3A_363, %dma_wait3A_369, %dma_wait3A_370] : memref<4x100x128xf32, #tpu.memory_space<vmem>> -> memref<1x100x128xf32, #tpu.memory_space<vmem>>
        %dma_wait3A_372 = tpu.memref_squeeze %dma_wait3A_371 : memref<1x100x128xf32, #tpu.memory_space<vmem>> -> memref<100x128xf32, #tpu.memory_space<vmem>>
        %dma_wait3A_373 = arith.constant 0 : i32
        %dma_wait3A_374 = arith.constant 0 : i32
        %dma_wait3A_375 = tpu.memref_slice %run_scoped3A[%rem3A_212, %dma_wait3A_373, %dma_wait3A_374] : memref<2x4x100xi32, #tpu.memory_space<vmem>> -> memref<1x4x100xi32, #tpu.memory_space<vmem>>
        %dma_wait3A_376 = tpu.memref_squeeze %dma_wait3A_375 : memref<1x4x100xi32, #tpu.memory_space<vmem>> -> memref<4x100xi32, #tpu.memory_space<vmem>>
        %dma_wait3A_377 = arith.constant 0 : i32
        %dma_wait3A_378 = tpu.memref_slice %dma_wait3A_376[%dma_wait3A_362, %dma_wait3A_377] : memref<4x100xi32, #tpu.memory_space<vmem>> -> memref<1x100xi32, #tpu.memory_space<vmem>>
        %dma_wait3A_379 = tpu.memref_squeeze %dma_wait3A_378 : memref<1x100xi32, #tpu.memory_space<vmem>> -> memref<100xi32, #tpu.memory_space<vmem>>
        %dma_wait3A_380 = arith.constant 0 : i32
        %dma_wait3A_381 = arith.constant 0 : i32
        %dma_wait3A_382 = tpu.memref_slice %arg5[%dma_wait3A_380, %dma_wait3A_381] : memref<1000x128xf32, #tpu.memory_space<vmem_shared>> -> memref<1000x128xf32, #tpu.memory_space<vmem_shared>>
        tpu.wait_indirect_dma semaphore(%arg6 : memref<!tpu.dma_semaphore, #tpu.memory_space<semaphore_mem>>) src(%dma_wait3A_382 : memref<1000x128xf32, #tpu.memory_space<vmem_shared>>) dst(%dma_wait3A_372 : memref<100x128xf32, #tpu.memory_space<vmem>>)
        "tpu.trace_stop"() : () -> ()
        %ne3A_383 = arith.cmpi ne, %add3A_138, %add3A_156 : i32
        %or3A_384 = arith.constant false
        %or3A_385 = arith.ori %or3A_384, %ne3A_383 : i1
        %or3A_386 = arith.constant false
        %or3A_387 = arith.ori %or3A_385, %or3A_386 : i1
        %or3A_388 = arith.ori %or3A_387, %eq3A_137 : i1
        %convert_element_type3A_389 = arith.extui %or3A_388 : i1 to i32
        %cond3A_390 = arith.constant 0 : i32
        %cond3A_391 = arith.cmpi ne, %convert_element_type3A_389, %cond3A_390 : i32
        scf.if %cond3A_391 {
        } else {
        }
        %and3A_392 = arith.constant false
        %and3A_393 = arith.andi %or3A_388, %and3A_392 : i1
        %ne3A_394 = arith.cmpi ne, %add3A_138, %add3A_156 : i32
        %or3A_395 = arith.constant false
        %or3A_396 = arith.ori %or3A_395, %ne3A_394 : i1
        %or3A_397 = arith.constant false
        %or3A_398 = arith.ori %or3A_396, %or3A_397 : i1
        %or3A_399 = arith.constant false
        %or3A_400 = arith.ori %or3A_398, %or3A_399 : i1
        %or3A_401 = arith.ori %or3A_400, %eq3A_137 : i1
        %convert_element_type3A_402 = arith.extui %or3A_401 : i1 to i32
        %cond3A_403 = arith.constant 0 : i32
        %cond3A_404 = arith.cmpi ne, %convert_element_type3A_402, %cond3A_403 : i32
        scf.if %cond3A_404 {
          "tpu.trace_start"() <{level = 10 : i32, message = "ep_copy_out"}> : () -> ()
          %rem3A_458 = arith.constant 2 : i32
          %rem3A_459 = arith.remui %scan3A_131, %rem3A_458 : i32
          %mul3A_460 = arith.constant 4 : i32
          %mul3A_461 = arith.muli %mul3A_460, %add3A_138 : i32
          %dma_start3A_462 = arith.constant 0 : i32
          %dma_start3A_463 = arith.constant 0 : i32
          %dma_start3A_464 = arith.constant 0 : i32
          %dma_start3A_465 = tpu.memref_slice %run_scoped3A_10[%rem3A_459, %dma_start3A_462, %dma_start3A_463, %dma_start3A_464] : memref<2x4x100x128xf32, #tpu.memory_space<vmem>> -> memref<1x4x100x128xf32, #tpu.memory_space<vmem>>
          %dma_start3A_466 = tpu.memref_squeeze %dma_start3A_465 : memref<1x4x100x128xf32, #tpu.memory_space<vmem>> -> memref<4x100x128xf32, #tpu.memory_space<vmem>>
          %dma_start3A_467 = arith.constant 0 : i32
          %dma_start3A_468 = arith.constant 0 : i32
          %dma_start3A_469 = tpu.memref_slice %arg4[%mul3A_461, %dma_start3A_467, %dma_start3A_468] : memref<4096x100x128xf32, #tpu.memory_space<hbm>> -> memref<4x100x128xf32, #tpu.memory_space<hbm>>
          %dma_start3A_470 = tpu.memref_slice %run_scoped3A_11[%rem3A_459] : memref<2x!tpu.dma_semaphore, #tpu.memory_space<semaphore_mem>> -> memref<1x!tpu.dma_semaphore, #tpu.memory_space<semaphore_mem>>
          %dma_start3A_471 = tpu.memref_squeeze %dma_start3A_470 : memref<1x!tpu.dma_semaphore, #tpu.memory_space<semaphore_mem>> -> memref<!tpu.dma_semaphore, #tpu.memory_space<semaphore_mem>>
          %dma_start3A_472 = arith.constant 0 : i32
          %dma_start3A_473 = arith.constant 0 : i32
          %dma_start3A_474 = tpu.memref_slice %arg4[%mul3A_461, %dma_start3A_472, %dma_start3A_473] : memref<4096x100x128xf32, #tpu.memory_space<hbm>> -> memref<4x100x128xf32, #tpu.memory_space<hbm>>
          %dma_start3A_475 = arith.constant 0 : i32
          %dma_start3A_476 = arith.constant 0 : i32
          %dma_start3A_477 = arith.constant 0 : i32
          %dma_start3A_478 = tpu.memref_slice %run_scoped3A_10[%rem3A_459, %dma_start3A_475, %dma_start3A_476, %dma_start3A_477] : memref<2x4x100x128xf32, #tpu.memory_space<vmem>> -> memref<1x4x100x128xf32, #tpu.memory_space<vmem>>
          %dma_start3A_479 = tpu.memref_squeeze %dma_start3A_478 : memref<1x4x100x128xf32, #tpu.memory_space<vmem>> -> memref<4x100x128xf32, #tpu.memory_space<vmem>>
          tpu.enqueue_dma source(%dma_start3A_479 : memref<4x100x128xf32, #tpu.memory_space<vmem>>) target(%dma_start3A_474 : memref<4x100x128xf32, #tpu.memory_space<hbm>>) target_semaphore(%dma_start3A_471 : memref<!tpu.dma_semaphore, #tpu.memory_space<semaphore_mem>>)
          "tpu.trace_stop"() : () -> ()
        } else {
        }
        %and3A_405 = arith.constant true
        %and3A_406 = arith.andi %or3A_401, %and3A_405 : i1
        %add3A_407 = arith.constant 1 : i32
        %add3A_408 = arith.addi %scan3A_131, %add3A_407 : i32
        %select_n3A_409 = arith.select %and3A_406, %add3A_408, %scan3A_131 : i32
        %ne3A_410 = arith.cmpi ne, %add3A_138, %add3A_147 : i32
        %or3A_411 = arith.constant false
        %or3A_412 = arith.ori %or3A_411, %ne3A_410 : i1
        %or3A_413 = arith.constant false
        %or3A_414 = arith.ori %or3A_412, %or3A_413 : i1
        %not3A_415 = arith.constant true
        %not3A_416 = arith.xori %eq3A_135, %not3A_415 : i1
        %and3A_417 = arith.andi %or3A_414, %not3A_416 : i1
        %convert_element_type3A_418 = arith.extui %and3A_417 : i1 to i32
        %cond3A_419 = arith.constant 0 : i32
        %cond3A_420 = arith.cmpi ne, %convert_element_type3A_418, %cond3A_419 : i32
        scf.if %cond3A_420 {
        } else {
        }
        %and3A_421 = arith.constant false
        %and3A_422 = arith.andi %and3A_417, %and3A_421 : i1
        %ne3A_423 = arith.cmpi ne, %add3A_138, %add3A_147 : i32
        %or3A_424 = arith.constant false
        %or3A_425 = arith.ori %or3A_424, %ne3A_423 : i1
        %or3A_426 = arith.constant false
        %or3A_427 = arith.ori %or3A_425, %or3A_426 : i1
        %or3A_428 = arith.constant false
        %or3A_429 = arith.ori %or3A_427, %or3A_428 : i1
        %not3A_430 = arith.constant true
        %not3A_431 = arith.xori %eq3A_135, %not3A_430 : i1
        %and3A_432 = arith.andi %or3A_429, %not3A_431 : i1
        %convert_element_type3A_433 = arith.extui %and3A_432 : i1 to i32
        %cond3A_434 = arith.constant 0 : i32
        %cond3A_435 = arith.cmpi ne, %convert_element_type3A_433, %cond3A_434 : i32
        scf.if %cond3A_435 {
          "tpu.trace_start"() <{level = 10 : i32, message = "ep_wait_out"}> : () -> ()
          %rem3A_458 = arith.constant 2 : i32
          %rem3A_459 = arith.remui %scan3A_132, %rem3A_458 : i32
          %mul3A_460 = arith.constant 4 : i32
          %mul3A_461 = arith.muli %mul3A_460, %add3A_147 : i32
          %dma_wait3A_462 = arith.constant 0 : i32
          %dma_wait3A_463 = arith.constant 0 : i32
          %dma_wait3A_464 = arith.constant 0 : i32
          %dma_wait3A_465 = tpu.memref_slice %run_scoped3A_10[%rem3A_459, %dma_wait3A_462, %dma_wait3A_463, %dma_wait3A_464] : memref<2x4x100x128xf32, #tpu.memory_space<vmem>> -> memref<1x4x100x128xf32, #tpu.memory_space<vmem>>
          %dma_wait3A_466 = tpu.memref_squeeze %dma_wait3A_465 : memref<1x4x100x128xf32, #tpu.memory_space<vmem>> -> memref<4x100x128xf32, #tpu.memory_space<vmem>>
          %dma_wait3A_467 = arith.constant 0 : i32
          %dma_wait3A_468 = arith.constant 0 : i32
          %dma_wait3A_469 = tpu.memref_slice %arg4[%mul3A_461, %dma_wait3A_467, %dma_wait3A_468] : memref<4096x100x128xf32, #tpu.memory_space<hbm>> -> memref<4x100x128xf32, #tpu.memory_space<hbm>>
          %dma_wait3A_470 = tpu.memref_slice %run_scoped3A_11[%rem3A_459] : memref<2x!tpu.dma_semaphore, #tpu.memory_space<semaphore_mem>> -> memref<1x!tpu.dma_semaphore, #tpu.memory_space<semaphore_mem>>
          %dma_wait3A_471 = tpu.memref_squeeze %dma_wait3A_470 : memref<1x!tpu.dma_semaphore, #tpu.memory_space<semaphore_mem>> -> memref<!tpu.dma_semaphore, #tpu.memory_space<semaphore_mem>>
          %dma_wait3A_472 = arith.constant 0 : i32
          %dma_wait3A_473 = arith.constant 0 : i32
          %dma_wait3A_474 = tpu.memref_slice %arg4[%mul3A_461, %dma_wait3A_472, %dma_wait3A_473] : memref<4096x100x128xf32, #tpu.memory_space<hbm>> -> memref<4x100x128xf32, #tpu.memory_space<hbm>>
          %dma_wait3A_475 = arith.constant 0 : i32
          %dma_wait3A_476 = arith.constant 0 : i32
          %dma_wait3A_477 = arith.constant 0 : i32
          %dma_wait3A_478 = tpu.memref_slice %run_scoped3A_10[%rem3A_459, %dma_wait3A_475, %dma_wait3A_476, %dma_wait3A_477] : memref<2x4x100x128xf32, #tpu.memory_space<vmem>> -> memref<1x4x100x128xf32, #tpu.memory_space<vmem>>
          %dma_wait3A_479 = tpu.memref_squeeze %dma_wait3A_478 : memref<1x4x100x128xf32, #tpu.memory_space<vmem>> -> memref<4x100x128xf32, #tpu.memory_space<vmem>>
          tpu.wait_dma2 semaphore(%dma_wait3A_471 : memref<!tpu.dma_semaphore, #tpu.memory_space<semaphore_mem>>) src(%dma_wait3A_479 : memref<4x100x128xf32, #tpu.memory_space<vmem>>) dst(%dma_wait3A_474 : memref<4x100x128xf32, #tpu.memory_space<hbm>>)
          "tpu.trace_stop"() : () -> ()
        } else {
        }
        %and3A_436 = arith.constant true
        %and3A_437 = arith.andi %and3A_432, %and3A_436 : i1
        %add3A_438 = arith.constant 1 : i32
        %add3A_439 = arith.addi %scan3A_132, %add3A_438 : i32
        %select_n3A_440 = arith.select %and3A_437, %add3A_439, %scan3A_132 : i32
        %ne3A_441 = arith.cmpi ne, %add3A_138, %add3A_156 : i32
        %or3A_442 = arith.constant false
        %or3A_443 = arith.ori %or3A_442, %ne3A_441 : i1
        %or3A_444 = arith.constant false
        %or3A_445 = arith.ori %or3A_443, %or3A_444 : i1
        %or3A_446 = arith.ori %or3A_445, %eq3A_137 : i1
        %add3A_447 = arith.constant 1 : i32
        %add3A_448 = arith.addi %scan3A_130, %add3A_447 : i32
        %select_n3A_449 = arith.select %or3A_446, %add3A_448, %scan3A_130 : i32
        %add3A_450 = arith.constant 1 : i32
        %add3A_451 = arith.addi %scan3A_133, %add3A_450 : i32
        %select_n3A_452 = arith.constant true
        %select_n3A_453 = arith.select %select_n3A_452, %add3A_451, %scan3A_133 : i32
        %eq3A_454 = arith.constant 32 : i32
        %eq3A_455 = arith.cmpi eq, %select_n3A_453, %eq3A_454 : i32
        %select_n3A_456 = arith.constant 0 : i32
        %select_n3A_457 = arith.select %eq3A_455, %select_n3A_456, %select_n3A_453 : i32
        scf.yield %select_n3A_178, %select_n3A_449, %select_n3A_409, %select_n3A_440, %select_n3A_457 : i32, i32, i32, i32, i32
      }
      %scan3A_71 = arith.constant 32 : i32
      %sub3A = arith.constant 1 : i32
      %sub3A_72 = arith.subi %scan3A_70#4, %sub3A : i32
      %select_n3A_73 = arith.constant true
      %select_n3A_74 = arith.select %select_n3A_73, %sub3A_72, %scan3A_70#4 : i32
      %eq3A_75 = arith.constant -1 : i32
      %eq3A_76 = arith.cmpi eq, %select_n3A_74, %eq3A_75 : i32
      %select_n3A_77 = arith.constant 31 : i32
      %select_n3A_78 = arith.select %eq3A_76, %select_n3A_77, %select_n3A_74 : i32
      %add3A_79 = arith.addi %select_n3A_78, %mul3A_8 : i32
      %sub3A_80 = arith.constant 1 : i32
      %sub3A_81 = arith.subi %select_n3A_78, %sub3A_80 : i32
      %select_n3A_82 = arith.constant true
      %select_n3A_83 = arith.select %select_n3A_82, %sub3A_81, %select_n3A_78 : i32
      %eq3A_84 = arith.constant -1 : i32
      %eq3A_85 = arith.cmpi eq, %select_n3A_83, %eq3A_84 : i32
      %select_n3A_86 = arith.constant 31 : i32
      %select_n3A_87 = arith.select %eq3A_85, %select_n3A_86, %select_n3A_83 : i32
      %add3A_88 = arith.addi %select_n3A_87, %mul3A_8 : i32
      %add3A_89 = arith.constant 1 : i32
      %add3A_90 = arith.addi %select_n3A_78, %add3A_89 : i32
      %select_n3A_91 = arith.constant true
      %select_n3A_92 = arith.select %select_n3A_91, %add3A_90, %select_n3A_78 : i32
      %eq3A_93 = arith.constant 32 : i32
      %eq3A_94 = arith.cmpi eq, %select_n3A_92, %eq3A_93 : i32
      %select_n3A_95 = arith.constant 0 : i32
      %select_n3A_96 = arith.select %eq3A_94, %select_n3A_95, %select_n3A_92 : i32
      %add3A_97 = arith.addi %select_n3A_96, %mul3A_8 : i32
      %add3A_98 = arith.constant 1 : i32
      %add3A_99 = arith.addi %select_n3A_96, %add3A_98 : i32
      %select_n3A_100 = arith.constant true
      %select_n3A_101 = arith.select %select_n3A_100, %add3A_99, %select_n3A_96 : i32
      %eq3A_102 = arith.constant 32 : i32
      %eq3A_103 = arith.cmpi eq, %select_n3A_101, %eq3A_102 : i32
      %select_n3A_104 = arith.constant 0 : i32
      %select_n3A_105 = arith.select %eq3A_103, %select_n3A_104, %select_n3A_101 : i32
      %add3A_106 = arith.addi %select_n3A_105, %mul3A_8 : i32
      "tpu.trace_start"() <{level = 10 : i32, message = "ep_finalize"}> : () -> ()
      %rem3A_107 = arith.constant 2 : i32
      %rem3A_108 = arith.remui %scan3A_70#3, %rem3A_107 : i32
      %mul3A_109 = arith.constant 4 : i32
      %mul3A_110 = arith.muli %mul3A_109, %add3A_79 : i32
      %dma_wait3A = arith.constant 0 : i32
      %dma_wait3A_111 = arith.constant 0 : i32
      %dma_wait3A_112 = arith.constant 0 : i32
      %dma_wait3A_113 = tpu.memref_slice %run_scoped3A_10[%rem3A_108, %dma_wait3A, %dma_wait3A_111, %dma_wait3A_112] : memref<2x4x100x128xf32, #tpu.memory_space<vmem>> -> memref<1x4x100x128xf32, #tpu.memory_space<vmem>>
      %dma_wait3A_114 = tpu.memref_squeeze %dma_wait3A_113 : memref<1x4x100x128xf32, #tpu.memory_space<vmem>> -> memref<4x100x128xf32, #tpu.memory_space<vmem>>
      %dma_wait3A_115 = arith.constant 0 : i32
      %dma_wait3A_116 = arith.constant 0 : i32
      %dma_wait3A_117 = tpu.memref_slice %arg4[%mul3A_110, %dma_wait3A_115, %dma_wait3A_116] : memref<4096x100x128xf32, #tpu.memory_space<hbm>> -> memref<4x100x128xf32, #tpu.memory_space<hbm>>
      %dma_wait3A_118 = tpu.memref_slice %run_scoped3A_11[%rem3A_108] : memref<2x!tpu.dma_semaphore, #tpu.memory_space<semaphore_mem>> -> memref<1x!tpu.dma_semaphore, #tpu.memory_space<semaphore_mem>>
      %dma_wait3A_119 = tpu.memref_squeeze %dma_wait3A_118 : memref<1x!tpu.dma_semaphore, #tpu.memory_space<semaphore_mem>> -> memref<!tpu.dma_semaphore, #tpu.memory_space<semaphore_mem>>
      %dma_wait3A_120 = arith.constant 0 : i32
      %dma_wait3A_121 = arith.constant 0 : i32
      %dma_wait3A_122 = tpu.memref_slice %arg4[%mul3A_110, %dma_wait3A_120, %dma_wait3A_121] : memref<4096x100x128xf32, #tpu.memory_space<hbm>> -> memref<4x100x128xf32, #tpu.memory_space<hbm>>
      %dma_wait3A_123 = arith.constant 0 : i32
      %dma_wait3A_124 = arith.constant 0 : i32
      %dma_wait3A_125 = arith.constant 0 : i32
      %dma_wait3A_126 = tpu.memref_slice %run_scoped3A_10[%rem3A_108, %dma_wait3A_123, %dma_wait3A_124, %dma_wait3A_125] : memref<2x4x100x128xf32, #tpu.memory_space<vmem>> -> memref<1x4x100x128xf32, #tpu.memory_space<vmem>>
      %dma_wait3A_127 = tpu.memref_squeeze %dma_wait3A_126 : memref<1x4x100x128xf32, #tpu.memory_space<vmem>> -> memref<4x100x128xf32, #tpu.memory_space<vmem>>
      tpu.wait_dma2 semaphore(%dma_wait3A_119 : memref<!tpu.dma_semaphore, #tpu.memory_space<semaphore_mem>>) src(%dma_wait3A_127 : memref<4x100x128xf32, #tpu.memory_space<vmem>>) dst(%dma_wait3A_122 : memref<4x100x128xf32, #tpu.memory_space<hbm>>)
      "tpu.trace_stop"() : () -> ()
      tpu.yield
    }) : () -> ()
    return
  }
}

</mosaic_0001>

<sc_bundles>
// kernel: kernel.3.cloned.1.call-start
scs
__scs_entry_jumppad:
0x0: {  	(pc) =	sbr.rel $0x88, $3  }
0x1: {  	(tag) =	ssettag $0x0;
	lr =	simm.s32 $0x1  }
0x2: {  	[smem:$0x3F9F] =	sst lr;
	_ =	strace $0xD0000000  }
0x3: {  	_ = 	snop  }
0x4: {  	_ = 	snop  }
0x5: {  	_ = 	snop  }
0x6: {  	_ = 	snop  }
0x7: {  	_ = 	snop  }
__scs_overlays_trampoline_lowered:
0x8: {  	[smem:$0x3FAE] =	sst s0  }
0x9: {  	[smem:$0x3FAF] =	sst s1  }
0xa: {  	[smem:$0x3FB0] =	sst s2  }
0xb: {  	[smem:$0x3FB1] =	sst s3  }
0xc: {  	[smem:$0x3FB2] =	sst s4  }
0xd: {  	[smem:$0x3FB3] =	sst s5  }
0xe: {  	[smem:$0x3FB4] =	sst s6  }
0xf: {  	[smem:$0x3FB5] =	sst s7  }
0x10: {  	[smem:$0x3FB6] =	sst s8  }
0x11: {  	[smem:$0x3FB7] =	sst s9;
	s0 =	simm.s32 @!p0 $0x0  }
0x12: {  	s1 =	sld [smem:$0x3F9D];
	s0 =	simm.s32 @p0 $0x1  }
0x13: {  	[smem:$0x3FB8] =	sst s0;
	s0 =	simm.s32 @!p1 $0x0  }
0x14: {  	s2 =	sld [smem:$0x3F9C];
	s0 =	simm.s32 @p1 $0x1  }
0x15: {  	[smem:$0x3FB9] =	sst s0;
	s0 =	simm.s32 @!p2 $0x0  }
0x16: {  	s3 =	sld [smem:$0x3FDB];
	s0 =	simm.s32 @p2 $0x1  }
0x17: {  	s4 =	simm.s32 $0x1BF5;
	[smem:$0x3FBB] =	sst s0  }
0x18: {  	s0 =	sld [smem:$0x3F9E];
	_ =	swait.ge [sflag:s4], $0x0  }
0x19: {  	s7 =	sld [smem:$0x3F9F]  }
0x1a: {  	s8 =	sadd.s32 $0xFFFFE003, lr  }
0x1b: {  	s9 =	sadd.s32 $0xFFFFFEF7, lr;
	s5 =	simm.s32 $0xFFFFFFFF;
	p2 =	slt.u32 s8, $0xFFFFF086  }
0x1c: {  	p1 =	slt.u32 s9, $0xF7A;
	s5 =	simm.s32 @!p2 $0x0  }
0x1d: {  	s5 =	simm.s32 @p1 $0x1;
	p0 =	seq.s32 s7, s2  }
0x1e: {  	s7 =	smul.u32 @!p0 $0xF7A, s2;
	p2 =	seq.s32 @!p0 s5, $0x0  }
0x1f: {  	s9 =	smul.u32 $0xF7A, s1;
	s8 =	simm.s32 @!p0 $0x1BF5;
	p2 =	por !p2, p0  }
0x20: {  	[sflag:s8] =	ssyncset.s32 @!p0 $0xFFFFF086;
	s6 =	sadd.s32 @!p0 s3, s7;
	s7 =	simm.s32 @!p0 $0x108  }
0x21: {  	s3 =	sadd.s32 s3, s9;
	s6 =	sadd.s32 @!p0 $0x88, s6;
	s7 =	simm.s32 @p2 $0x1082  }
0x22: {  	[simem:s7], [sflag:s8] =	dma.local @!p0 [hbm:s6], $0xF7A  }
0x23: {  	s9 =	sor.u32 $0xD0000000, s2;
	s6 =	simm.s32 $0x108;
	_ =	swait.ge @!p0 [sflag:s8], $0x0  }
0x24: {  	s3 =	sadd.s32 $0x88, s3;
	s6 =	simm.s32 @!p1 $0x1082;
	[sflag:s4] =	ssyncset.s32 $0xFFFFF086  }
0x25: {  	[simem:s6], [sflag:s4] =	dma.local [hbm:s3], $0xF7A  }
0x26: {  	[smem:$0x3F9F] =	sst s1;
	(tag) =	ssettag s2;
	_ =	strace s9  }
0x27: {  	s1 =	sld [smem:$0x3FAF]  }
0x28: {  	s2 =	sld [smem:$0x3FB0]  }
0x29: {  	s4 =	sld [smem:$0x3FB2]  }
0x2a: {  	p0 =	seq.s32 s5, $0x0;
	s5 =	sld [smem:$0x3FB3]  }
0x2b: {  	s6 =	sld [smem:$0x3FB4]  }
0x2c: {  	s7 =	sld [smem:$0x3FB5]  }
0x2d: {  	s3 =	simm.s32 $0x108;
	s8 =	sld [smem:$0x3FB6]  }
0x2e: {  	s3 =	simm.s32 @!p0 $0x1082;
	s9 =	sld [smem:$0x3FB7]  }
0x2f: {  	lr =	sadd.s32 s0, s3;
	s0 =	sld [smem:$0x3FAE]  }
0x30: {  	s3 =	sld [smem:$0x3FB1]  }
0x31: {  	[smem:$0x3FBA] =	sst s10  }
0x32: {  	s10 =	sld [smem:$0x3FB8];
	_ =	sdelay $0x3  }
0x33: {  	p0 =	seq.s32 s10, $0x1;
	s10 =	sld [smem:$0x3FBA];
	_ =	sdelay $0x3  }
0x34: {  	[smem:$0x3FBA] =	sst s10  }
0x35: {  	s10 =	sld [smem:$0x3FB9];
	_ =	sdelay $0x3  }
0x36: {  	p1 =	seq.s32 s10, $0x1;
	s10 =	sld [smem:$0x3FBA];
	_ =	sdelay $0x3  }
0x37: {  	[smem:$0x3FBA] =	sst s10  }
0x38: {  	s10 =	sld [smem:$0x3FBB]  }
0x39: {  	_ = 	snop;
	(pc) =	sbr.ind lr, $3  }
0x3a: {  	_ = 	snop  }
0x3b: {  	_ = 	snop  }
0x3c: {  	p2 =	seq.s32 s10, $0x1;
	s10 =	sld [smem:$0x3FBA]  }
0x3d: {  	_ =	shalt  }
0x3e: {  	_ =	shalt  }
0x3f: {  	_ =	shalt  }
0x40: {  	_ =	shalt  }
0x41: {  	_ =	shalt  }
0x42: {  	_ =	shalt  }
0x43: {  	_ =	shalt  }
0x44: {  	_ =	shalt  }
0x45: {  	_ =	shalt  }
0x46: {  	_ =	shalt  }
0x47: {  	_ =	shalt  }
0x48: {  	_ =	shalt  }
0x49: {  	_ =	shalt  }
0x4a: {  	_ =	shalt  }
0x4b: {  	_ =	shalt  }
0x4c: {  	_ =	shalt  }
0x4d: {  	_ =	shalt  }
0x4e: {  	_ =	shalt  }
0x4f: {  	_ =	shalt  }
0x50: {  	_ =	shalt  }
0x51: {  	_ =	shalt  }
0x52: {  	_ =	shalt  }
0x53: {  	_ =	shalt  }
0x54: {  	_ =	shalt  }
0x55: {  	_ =	shalt  }
0x56: {  	_ =	shalt  }
0x57: {  	_ =	shalt  }
0x58: {  	_ =	shalt  }
0x59: {  	_ =	shalt  }
0x5a: {  	_ =	shalt  }
0x5b: {  	_ =	shalt  }
0x5c: {  	_ =	shalt  }
0x5d: {  	_ =	shalt  }
0x5e: {  	_ =	shalt  }
0x5f: {  	_ =	shalt  }
0x60: {  	_ =	shalt  }
0x61: {  	_ =	shalt  }
0x62: {  	_ =	shalt  }
0x63: {  	_ =	shalt  }
0x64: {  	_ =	shalt  }
0x65: {  	_ =	shalt  }
0x66: {  	_ =	shalt  }
0x67: {  	_ =	shalt  }
0x68: {  	_ =	shalt  }
0x69: {  	_ =	shalt  }
0x6a: {  	_ =	shalt  }
0x6b: {  	_ =	shalt  }
0x6c: {  	_ =	shalt  }
0x6d: {  	_ =	shalt  }
0x6e: {  	_ =	shalt  }
0x6f: {  	_ =	shalt  }
0x70: {  	_ =	shalt  }
0x71: {  	_ =	shalt  }
0x72: {  	_ =	shalt  }
0x73: {  	_ =	shalt  }
0x74: {  	_ =	shalt  }
0x75: {  	_ =	shalt  }
0x76: {  	_ =	shalt  }
0x77: {  	_ =	shalt  }
0x78: {  	_ =	shalt  }
0x79: {  	_ =	shalt  }
0x7a: {  	_ =	shalt  }
0x7b: {  	_ =	shalt  }
0x7c: {  	_ =	shalt  }
0x7d: {  	_ =	shalt  }
0x7e: {  	_ =	shalt  }
0x7f: {  	_ =	shalt  }
0x80: {  	_ =	shalt  }
0x81: {  	_ =	shalt  }
0x82: {  	_ =	shalt  }
0x83: {  	_ =	shalt  }
0x84: {  	_ =	shalt  }
0x85: {  	_ =	shalt  }
0x86: {  	_ =	shalt  }
0x87: {  	_ =	shalt  }
.Lfunc_end0:
.L_simem_size_0:
called_computation_lowered:
.L_overlay_start_0:
0x88: {  	s2 =	sld [smem:$0x3FD9]  }
0x89: {  	s3 =	sld [smem:$0x3FFE];
	_ =	sdelay $0x1  }
0x8a: {  	s1 =	srdreg.scid  }
0x8b: {  	s0 =	sand.u32 $0x1, s1  }
0x8c: {  	s17 =	sshll.u32 s0, $0xA;
	s2 =	sadd.s32 s3, s2  }
0x8d: {  	s2 =	sadd.s32 s2, s17  }
0x8e: {  	[smem:$0x3FC6] =	sst s2  }
0x8f: {  	_ = 	snop  }
0x90: {  	s2 =	sld [smem:$0x3FC8]  }
0x91: {  	s18 =	sld [smem:$0x3FD0];
	(tm) =	ssettm $0x1  }
0x92: {  	s4 =	sld [smem:$0x3FFB];
	_ =	sdelay $0x3  }
0x93: {  	_ =	strace s4  }
0x94: {  	s4 =	sld [smem:$0x3FFC];
	_ =	sdelay $0x3  }
0x95: {  	_ =	strace s4  }
0x96: {  	s4 =	sld [smem:$0x3FFD];
	_ =	sdelay $0x3  }
0x97: {  	_ =	strace s4  }
0x98: {  	_ =	strace $0x8FFFFFFF  }
0x99: {  	s19 =	sld [smem:$0x3FDB];
	_ =	sdelay $0x1  }
0x9a: {  	s5 =	simm.s32 $_scs_section_size  }
0x9b: {  	s6 =	simm.s32 $_size__tile_overlayer_lowered;
	s7 =	simm.s32 $_tile_overlayer_lowered  }
0x9c: {  	s22 =	simm.s32 $0x1BFF;
	s21 =	sshll.u32 s7, $0x1;
	s4 =	sadd.s32 s5, s19  }
0x9d: {  	s8 =	simm.s32 $0x0;
	s20 =	sshll.u32 s6, $0x1;
	s6 =	sadd.s32 s21, s4  }
0x9e: {  	[timem:s8], [sflag:s22] =	dma.local [hbm:s6], s20  }
0x9f: {  	_ =	swait.ge [sflag:s22], s20  }
0xa0: {  	s5 =	ssub.s32 $0x0, s20;
	[sflag:s22] =	ssyncset.done $0x0  }
0xa1: {  	[sflag:s22] =	ssyncadd.s32 s5;
	_ =	sdelay $0x1  }
0xa2: {  	s23 =	simm.s32 $0x1B8B  }
0xa3: {  	_ =	swait.ge [sflag:s23], $0x1  }
0xa4: {  	[sflag:s23] =	ssyncset.done $0x0  }
0xa5: {  	s25 =	simm.s32 $0x1B8E;
	s24 =	sld [smem:$0x3FFE];
	[sflag:s23] =	ssyncadd.s32 $0xFFFFFFFF  }
0xa6: {  	s26 =	simm.s32 $execute0_lowered;
	[smem:$0x3FD2] =	sst s25  }
0xa7: {  	s6 =	sshll.u32 s26, $0x1;
	_ =	strace $0x80000046;
	[dreg:$0x1] =	wrdreg $0xFFFFFFFF  }
0xa8: {  	s28 =	simm.s32 $_size_execute0_lowered;
	s4 =	sadd.s32 s4, s6;
	[dreg:$0x0] =	wrdreg $0x0  }
0xa9: {  	s6 =	sshll.u32 s28, $0x1;
	[dreg:$0x2] =	wrdreg s4  }
0xaa: {  	[dreg:$0x3] =	wrdreg s6  }
0xab: {  	[dreg:$0x4] =	wrdreg $0xC0  }
0xac: {  	_ =	task [dreg:s8], $0x5FFFF  }
0xad: {  	[dreg:$0x1] =	wrdreg $0xFFFFFFFF  }
0xae: {  	[dreg:$0x0] =	wrdreg $0x60  }
0xaf: {  	[dreg:$0x2] =	wrdreg s2  }
0xb0: {  	[dreg:$0x3] =	wrdreg s18  }
0xb1: {  	[dreg:$0x4] =	wrdreg s24  }
0xb2: {  	[dreg:$0x5] =	wrdreg $0x0  }
0xb3: {  	[dreg:$0x6] =	wrdreg $0x9  }
0xb4: {  	_ =	task.clear_ibuf [dreg:s8], $0x7FFFF;
	_ =	strace $0x90000046  }
0xb5: {  	s29 =	simm.s32 $0x9;
	_ =	strace $0x8000004F  }
0xb6: {  	_ =	swait.ge [sflag:s29], $0x1  }
0xb7: {  	[sflag:s29] =	ssyncadd.s32 $0xFFFFFFFF  }
0xb8: {  	_ =	strace $0x9000004F  }
0xb9: {  	_ =	sfence  }
0xba: {  	s30 =	sld [smem:$0x0];
	_ =	sdelay $0x2  }
0xbb: {  	s31 =	sshll.u32 s1, $0xD;
	s1 =	sshrl.u32 s1, $0x2  }
0xbc: {  	s3 =	sand.u32 $0x4000, s31;
	s1 =	sadd.s32 s1, s30  }
0xbd: {  	s0 =	sor.u32 s3, s0;
	s1 =	sshll.u32 s1, $0x11  }
0xbe: {  	s0 =	sor.u32 s1, s0  }
0xbf: {  	s0 =	sadd.s32 $0x8F2B, s0  }
0xc0: {  	[sflag:s0] =	ssyncadd.remote.s32 $0x1  }
0xc1: {  	_ =	sfence.sel $0xFFFF  }
0xc2: {  	[dreg:$0x0] =	wrdreg $0xFFFFFFFF;
	(pc) =	sbr.abs _section_cstart, $3  }
0xc3: {  	[dreg:$0x1] =	wrdreg $0xFFFFFFFF  }
0xc4: {  	_ =	task.clear_ibuf [dreg:s8], $0x2FFFF;
	_ =	strace $0x9FFFFFFF  }
0xc5: {  	(tm) =	ssettm $0x7FFFFFFF  }
tec
execute0_lowered:
.L_overlay_start_1:
0x0: {  	(tag) =	ssettag $0x1  }
0x1: {  	s2 =	rddreg [dreg:$0x1]  }
0x2: {  	s0 =	rddreg [dreg:$0x2]  }
0x3: {  	s3 =	rddreg [dreg:$0x3];
	s4 =	simm.s32 $0x0;
	s5 =	srdreg.scid  }
0x4: {  	s8 =	stileid.u32;
	s10 =	simm.s32 $0x1;
	s5 =	sand.u32 $0x1, s5  }
0x5: {  	[smem:$0x7FF] =	sst s4;
	s0 =	sadd.s32 $0x400, s0;
	s6 =	ssub.s32 $0x2, s5  }
0x6: {  	_ =	strace $0x80000047;
	s5 =	sshll.u32 s5, $0x4;
	s30 =	sshrl.u32 s6, $0x1  }
0x7: {  	[dreg:$0x5] =	wrdreg s0;
	s7 =	sor.u32 s8, s5;
	s0 =	ssub.s32 s6, s30  }
0x8: {  	p0 =	sne.s32 s8, $0x0;
	s31 =	sshll.u32 s7, $0xB;
	s0 =	smax.u32 s0, $0x1  }
0x9: {  	s1 =	sadd.s32 s2, s31;
	[dreg:$0x7] =	wrdreg s0;
	s0 =	simm.s32 @!p0 $0x0  }
0xa: {  	s11 =	simm.s32 $0x64;
	[dreg:$0x6] =	wrdreg s1;
	s0 =	simm.s32 @p0 $0x1  }
0xb: {  	s12 =	simm.s32 $0x5;
	[smem:$0x7FD] =	sst s0;
	s0 =	sshrl.u32 @!p0 s3, $0x3  }
0xc: {  	s13 =	simm.s32 $0x0;
	s5 =	sshll.u32 s7, $0x5;
	[dreg:$0x8] =	wrdreg s0  }
.LBB2_1:
0xd: {  	s0 =	sld [smem:$0x7FD];
	_ =	sdelay $0x2  }
0xe: {  	s1 =	rddreg [dreg:$0x0];
	p0 =	seq.s32 s0, $0x1  }
0xf: {  	s6 =	rddreg [dreg:$0x8];
	s0 =	simm.s32 @!p0 $0x1C02  }
0x10: {  	[spmem:s6], [sflag:s0] =	dma.local @!p0 [hbm:s1], $0x3E80  }
0x11: {  	s0 =	simm.s32 @!p0 $0x2  }
0x12: {  	_ =	swait.ge @!p0 [sflag:s0], $0x3E80  }
0x13: {  	[sflag:s0] =	ssyncset.done @!p0 $0x0  }
0x14: {  	s16 =	simm.s32 $0x1;
	[sflag:s0] =	ssyncadd.s32 @!p0 $0xFFFFC180;
	p0 =	por $0x0, $0x0  }
0x15: {  	[bflag:$0x0] =	sbarrier.arrive $0xFFFF;
	s16 =	simm.s32 @p0 $0x0  }
0x16: {  	p5 =	por $0x1, $0x1;
	_ =	strace $0x80000048;
	p1 =	sne.s32 s16, $0x0  }
0x17: {  	s20 =	simm.s32 $0x1F40;
	s19 =	rddreg [dreg:$0x6];
	p0 =	por !p5, !p1  }
0x18: {  	[tilespmem:s20], [sflag:$0x2] =	stream.linear.gather [hbm4b:s19+s4], $0x200, $0x200038;
	[tilespmem:$0x1B340] =	vst v63  }
0x19: {  	p0 =	por !p0, !p0  }
0x1a: {  	s0 =	sadd.s32 @p0 s5, s16  }
0x1b: {  	s14 =	sshll.u32 @p0 s16, $0x9;
	s0 =	sshll.u32 @p0 s0, $0x9  }
0x1c: {  	_ =	strace $0x90000048;
	s14 =	sand.u32 @p0 $0x200, s14;
	s0 =	sand.u32 @p0 $0xFFFFFC00, s0  }
0x1d: {  	s17 =	simm.s32 @p0 $0x0;
	s0 =	sor.u32 @p0 s14, s0;
	s14 =	sand.u32 @p0 $0x1, s10  }
0x1e: {  	_ =	strace @p0 $0x80000049;
	s0 =	sshrl.u32 @p0 s0, $0x3;
	s15 =	sshll.u32 @p0 s14, $0x9  }
0x1f: {  	s14 =	sor.u32 @p0 $0x2, s14;
	s0 =	sadd.s32 @p0 s2, s0;
	s15 =	sadd.s32 @p0 $0x1F40, s15  }
0x20: {  	[tilespmem:s15], [sflag:s14] =	stream.linear.gather @p0 [hbm4b:s0+s17], $0x200, $0x200038;
	[tilespmem:$0x1B340] =	vst v63  }
0x21: {  	s22 =	sand.u32 $0x1, s4;
	p2 =	por $0x1, $0x1;
	_ =	strace @p0 $0x90000049  }
0x22: {  	s24 =	simm.s32 $0x0;
	s21 =	sor.u32 $0x2, s22;
	_ =	strace $0x8000004A  }
0x23: {  	p6 =	por $0x1, $0x1;
	s25 =	sand.u32 $0x200, s24;
	_ =	swait.ge [sflag:s21], $0x200  }
0x24: {  	s23 =	smul.u32 $0x32000, s22;
	s18 =	sadd.s32 $0x1FC0, s25;
	[sflag:s21] =	ssyncset.done $0x0  }
0x25: {  	p3 =	por p1, p1;
	p1 =	por $0x0, $0x0;
	[sflag:s21] =	ssyncadd.s32 $0xFFFFFE00  }
0x26: {  	p5 =	por $0x0, $0x0;
	s15 =	sshrl.u32 s23, $0x2;
	_ =	strace $0x9000004A  }
0x27: {  	s17 =	sadd.s32 $0x1F40, s25;
	s24 =	sadd.s32 $0x2340, s15;
	_ =	strace $0x8000004B  }
0x28: {  	[tilespmem:s24], [sflag:$0x1] =	stream.indirect.gather [spmem:s3], $0x80, s17, s11, $0x2000b8;
	[tilespmem:$0x1B340] =	vst v63  }
0x29: {  	s19 =	sadd.s32 $0x0, s5;
	s20 =	sor.u32 $0x2040, s25;
	s26 =	sadd.s32 $0x5540, s15  }
0x2a: {  	[tilespmem:s26], [sflag:$0x1] =	stream.indirect.gather [spmem:s3], $0x80, s18, s11, $0x2000b8;
	[tilespmem:$0x1B340] =	vst v63  }
0x2b: {  	s14 =	simm.s32 $0x1F;
	s0 =	sor.u32 $0x20C0, s25;
	s31 =	sadd.s32 $0x8740, s15  }
0x2c: {  	[tilespmem:s31], [sflag:$0x1] =	stream.indirect.gather [spmem:s3], $0x80, s20, s11, $0x2000b8;
	[tilespmem:$0x1B340] =	vst v63  }
0x2d: {  	s25 =	simm.s32 $0x1;
	s15 =	sadd.s32 $0xB940, s15;
	s21 =	sadd.s32 $0x1, s16  }
0x2e: {  	[tilespmem:s15], [sflag:$0x1] =	stream.indirect.gather [spmem:s3], $0x80, s0, s11, $0x2000b8;
	[tilespmem:$0x1B340] =	vst v63  }
0x2f: {  	s23 =	simm.s32 $0x0;
	p4 =	seq.s32 s21, $0x20;
	_ =	swait.ge [sflag:s10], $0x3200  }
0x30: {  	s25 =	simm.s32 @!p5 $0x0;
	s21 =	simm.s32 @p4 $0x0;
	[sflag:s10] =	ssyncset.done $0x0  }
0x31: {  	s17 =	simm.s32 $0x1E;
	p4 =	sne.s32 s16, s21;
	[sflag:s10] =	ssyncadd.s32 $0xFFFFCE00  }
0x32: {  	p5 =	por !p6, !p4;
	s18 =	simm.s32 $0x1;
	_ =	swait.ge [sflag:s10], $0x3200  }
0x33: {  	s18 =	simm.s32 @!p0 $0x0;
	p0 =	por $0x0, $0x0;
	[sflag:s10] =	ssyncset.done $0x0  }
0x34: {  	p0 =	por p0, p3;
	p3 =	por !p5, !p5;
	[sflag:s10] =	ssyncadd.s32 $0xFFFFCE00  }
0x35: {  	s18 =	sadd.s32 $0x1, s18;
	s20 =	sshll.u32 @p3 s21, $0x9;
	_ =	swait.ge [sflag:s10], $0x3200  }
0x36: {  	s30 =	sand.u32 @p3 $0x1, s18;
	s0 =	sand.u32 @!p2 $0x1, s4;
	[sflag:s10] =	ssyncset.done $0x0  }
0x37: {  	s15 =	sadd.s32 s5, s16;
	p2 =	por p2, p2;
	[sflag:s10] =	ssyncadd.s32 $0xFFFFCE00  }
0x38: {  	s16 =	sadd.s32 @p3 s5, s21;
	s28 =	sand.u32 @p3 $0x200, s20;
	_ =	swait.ge [sflag:s10], $0x3200  }
0x39: {  	s20 =	simm.s32 $0x0;
	s26 =	sor.u32 @!p2 $0x4, s0;
	[sflag:s10] =	ssyncset.done $0x0  }
0x3a: {  	s0 =	simm.s32 @p0 $0x3200;
	s16 =	sshll.u32 @p3 s16, $0x9;
	[sflag:s10] =	ssyncadd.s32 $0xFFFFCE00  }
0x3b: {  	s29 =	sand.u32 @p3 $0xFFFFFC00, s16;
	s16 =	simm.s32 $0x0;
	_ =	strace $0x9000004B  }
.LBB2_2:
0x3c: {  	_ =	strace @p0 $0x8000004C;
	s1 =	simm.s32 $0x1;
	s19 =	smul.u32 @p0 $0xD000, s19  }
0x3d: {  	s1 =	simm.s32 @!p0 $0x0;
	s9 =	rddreg [dreg:$0x5]  }
0x3e: {  	s23 =	sadd.s32 s1, s23;
	s20 =	sadd.s32 s1, s20;
	s1 =	sshrl.u32 @p0 s19, $0x3  }
0x3f: {  	s22 =	sor.u32 @p0 $0x4, s22;
	s19 =	simm.s32 @p0 $0x3400;
	s1 =	sadd.s32 @p0 s9, s1  }
0x40: {  	[hbm4b:s1+s0] =	stream.strided.scatter @p0 [tilespmem:s24], [sflag:s22], $0xC800, s19, s0, $0x200038;
	[tilespmem:$0x1B340] =	vst v63  }
0x41: {  	s31 =	sor.u32 @p3 s28, s29;
	_ =	strace @p0 $0x9000004C  }
0x42: {  	s31 =	sshrl.u32 @p3 s31, $0x3;
	_ =	strace @!p2 $0x8000004D  }
0x43: {  	s6 =	sadd.s32 @p3 s2, s31;
	s8 =	sshll.u32 s23, $0x9;
	_ =	swait.ge @!p2 [sflag:s26], $0xC800  }
0x44: {  	s9 =	sor.u32 @p3 $0x2, s30;
	s31 =	sand.u32 $0x200, s8;
	[sflag:s26] =	ssyncset.done @!p2 $0x0  }
0x45: {  	s8 =	simm.s32 $0x1;
	s0 =	sshll.u32 @p3 s30, $0x9;
	[sflag:s26] =	ssyncadd.s32 @!p2 $0xFFFF3800  }
0x46: {  	s1 =	simm.s32 @p3 $0x0;
	s8 =	simm.s32 @!p3 $0x0;
	_ =	strace @!p2 $0x9000004D  }
0x47: {  	s18 =	sadd.s32 s8, s18;
	s8 =	sadd.s32 @p3 $0x1F40, s0;
	_ =	strace @p3 $0x80000049  }
0x48: {  	[tilespmem:s8], [sflag:s9] =	stream.linear.gather @p3 [hbm4b:s6+s1], $0x200, $0x200038;
	[tilespmem:$0x1B340] =	vst v63  }
0x49: {  	s7 =	sand.u32 $0x1, s23;
	_ =	strace @p3 $0x90000049  }
0x4a: {  	s16 =	sadd.s32 s25, s16;
	s25 =	sor.u32 $0x2, s7;
	_ =	strace $0x8000004A  }
0x4b: {  	s22 =	sand.u32 $0x1, s20;
	_ =	swait.ge [sflag:s25], $0x200  }
0x4c: {  	s26 =	smul.u32 $0x32000, s22;
	[sflag:s25] =	ssyncset.done $0x0  }
0x4d: {  	s29 =	smov.u32 s14;
	s14 =	smov.u32 s17;
	[sflag:s25] =	ssyncadd.s32 $0xFFFFFE00  }
0x4e: {  	s28 =	smov.u32 s21;
	s1 =	sshrl.u32 s26, $0x2;
	_ =	strace $0x9000004A  }
0x4f: {  	s7 =	sadd.s32 $0x1F40, s31;
	s24 =	sadd.s32 $0x2340, s1;
	_ =	strace $0x8000004B  }
0x50: {  	[tilespmem:s24], [sflag:$0x1] =	stream.indirect.gather [spmem:s3], $0x80, s7, s11, $0x2000b8;
	[tilespmem:$0x1B340] =	vst v63  }
0x51: {  	p5 =	por p4, p4;
	s9 =	sadd.s32 $0x1FC0, s31;
	s8 =	sadd.s32 $0x5540, s1  }
0x52: {  	[tilespmem:s8], [sflag:$0x1] =	stream.indirect.gather [spmem:s3], $0x80, s9, s11, $0x2000b8;
	[tilespmem:$0x1B340] =	vst v63  }
0x53: {  	s17 =	sadd.s32 $0xFFFFFFFF, s17;
	s26 =	sor.u32 $0x2040, s31;
	s25 =	sadd.s32 $0x8740, s1  }
0x54: {  	[tilespmem:s25], [sflag:$0x1] =	stream.indirect.gather [spmem:s3], $0x80, s26, s11, $0x2000b8;
	[tilespmem:$0x1B340] =	vst v63  }
0x55: {  	p6 =	sne.s32 s17, $0x0;
	s31 =	sor.u32 $0x20C0, s31;
	s1 =	sadd.s32 $0xB940, s1  }
0x56: {  	[tilespmem:s1], [sflag:$0x1] =	stream.indirect.gather [spmem:s3], $0x80, s31, s11, $0x2000b8;
	[tilespmem:$0x1B340] =	vst v63  }
0x57: {  	p4 =	sne.s32 s29, $0x20;
	s19 =	smov.u32 s15;
	_ =	swait.ge [sflag:s10], $0x3200  }
0x58: {  	s15 =	sadd.s32 s5, s21;
	s21 =	sadd.s32 $0x1, s21;
	[sflag:s10] =	ssyncset.done $0x0  }
0x59: {  	p0 =	seq.s32 s29, $0x1;
	s0 =	sand.u32 @!p1 $0x1, s16;
	[sflag:s10] =	ssyncadd.s32 $0xFFFFCE00  }
0x5a: {  	p0 =	por p0, p5;
	p2 =	por p1, p1;
	_ =	swait.ge [sflag:s10], $0x3200  }
0x5b: {  	p1 =	seq.s32 s14, $0x20;
	p3 =	seq.s32 s21, $0x20;
	[sflag:s10] =	ssyncset.done $0x0  }
0x5c: {  	s21 =	simm.s32 @p3 $0x0;
	p3 =	sne.s32 s14, $0x1;
	[sflag:s10] =	ssyncadd.s32 $0xFFFFCE00  }
0x5d: {  	s26 =	sor.u32 @!p2 $0x4, s0;
	s25 =	simm.s32 $0x1;
	_ =	swait.ge [sflag:s10], $0x3200  }
0x5e: {  	s25 =	simm.s32 @!p4 $0x0;
	p4 =	sne.s32 s28, s21;
	[sflag:s10] =	ssyncset.done $0x0  }
.Ltmp0:
0x5f: {  	p3 =	por !p3, !p4;
	[sflag:s10] =	ssyncadd.s32 $0xFFFFCE00;
	(pc) =	sbr.rel @p6 .LBB2_2-.Ltmp0, $4  }
0x60: {  	s0 =	simm.s32 @p0 $0x3200;
	p3 =	por !p3, !p3;
	_ =	swait.ge [sflag:s10], $0x3200  }
0x61: {  	s1 =	sadd.s32 @p3 s5, s21;
	s6 =	sshll.u32 @p3 s21, $0x9;
	[sflag:s10] =	ssyncset.done $0x0  }
0x62: {  	s30 =	sand.u32 @p3 $0x1, s18;
	s1 =	sshll.u32 @p3 s1, $0x9;
	[sflag:s10] =	ssyncadd.s32 $0xFFFFCE00  }
0x63: {  	s28 =	sand.u32 @p3 $0x200, s6;
	s29 =	sand.u32 @p3 $0xFFFFFC00, s1;
	_ =	strace $0x9000004B  }
0x64: {  	s6 =	smul.u32 @p0 $0xD000, s19  }
0x65: {  	_ =	strace @p0 $0x8000004C  }
0x66: {  	s1 =	rddreg [dreg:$0x5];
	s6 =	sshrl.u32 @p0 s6, $0x3  }
0x67: {  	s7 =	sor.u32 @p0 $0x4, s22;
	s8 =	simm.s32 @p0 $0x3400;
	s1 =	sadd.s32 @p0 s1, s6  }
0x68: {  	[hbm4b:s1+s0] =	stream.strided.scatter @p0 [tilespmem:s24], [sflag:s7], $0xC800, s8, s0, $0x200038;
	[tilespmem:$0x1B340] =	vst v63  }
0x69: {  	_ =	strace @p0 $0x9000004C  }
0x6a: {  	_ =	strace @!p2 $0x8000004D  }
0x6b: {  	s9 =	sor.u32 @p3 $0x2, s30;
	s0 =	sor.u32 @p3 s28, s29;
	_ =	swait.ge @!p2 [sflag:s26], $0xC800  }
0x6c: {  	s1 =	simm.s32 $0x1;
	s7 =	sshll.u32 @p3 s30, $0x9;
	[sflag:s26] =	ssyncset.done @!p2 $0x0  }
0x6d: {  	s8 =	simm.s32 @p3 $0x0;
	s1 =	simm.s32 @!p0 $0x0;
	[sflag:s26] =	ssyncadd.s32 @!p2 $0xFFFF3800  }
0x6e: {  	s0 =	sshrl.u32 @p3 s0, $0x3;
	s7 =	sadd.s32 @p3 $0x1F40, s7;
	_ =	strace @!p2 $0x9000004D  }
0x6f: {  	s0 =	sadd.s32 @p3 s2, s0;
	s18 =	sadd.s32 s1, s23;
	_ =	strace @p3 $0x80000049  }
0x70: {  	[tilespmem:s7], [sflag:s9] =	stream.linear.gather @p3 [hbm4b:s0+s8], $0x200, $0x200038;
	[tilespmem:$0x1B340] =	vst v63  }
0x71: {  	s19 =	sand.u32 $0x1, s18;
	_ =	strace @p3 $0x90000049  }
0x72: {  	s1 =	sadd.s32 s1, s20;
	s0 =	sor.u32 $0x2, s19;
	_ =	strace $0x8000004A  }
0x73: {  	s1 =	sand.u32 $0x1, s1;
	_ =	swait.ge [sflag:s0], $0x200  }
0x74: {  	s21 =	smul.u32 $0x32000, s1;
	[sflag:s0] =	ssyncset.done $0x0  }
0x75: {  	s6 =	sshll.u32 s18, $0x9;
	[sflag:s0] =	ssyncadd.s32 $0xFFFFFE00  }
0x76: {  	s22 =	sand.u32 $0x200, s6;
	s23 =	sshrl.u32 s21, $0x2;
	_ =	strace $0x9000004A  }
0x77: {  	s24 =	sadd.s32 $0x1F40, s22;
	s7 =	sadd.s32 $0x2340, s23;
	_ =	strace $0x8000004B  }
0x78: {  	[tilespmem:s7], [sflag:$0x1] =	stream.indirect.gather [spmem:s3], $0x80, s24, s11, $0x2000b8;
	[tilespmem:$0x1B340] =	vst v63  }
0x79: {  	s28 =	sadd.s32 $0x1FC0, s22;
	s26 =	sadd.s32 $0x5540, s23  }
0x7a: {  	[tilespmem:s26], [sflag:$0x1] =	stream.indirect.gather [spmem:s3], $0x80, s28, s11, $0x2000b8;
	[tilespmem:$0x1B340] =	vst v63  }
0x7b: {  	s30 =	sor.u32 $0x2040, s22;
	s29 =	sadd.s32 $0x8740, s23  }
0x7c: {  	[tilespmem:s29], [sflag:$0x1] =	stream.indirect.gather [spmem:s3], $0x80, s30, s11, $0x2000b8;
	[tilespmem:$0x1B340] =	vst v63  }
0x7d: {  	s6 =	sadd.s32 $0xB940, s23;
	s0 =	sor.u32 $0x20C0, s22  }
0x7e: {  	[tilespmem:s6], [sflag:$0x1] =	stream.indirect.gather [spmem:s3], $0x80, s0, s11, $0x2000b8;
	[tilespmem:$0x1B340] =	vst v63  }
0x7f: {  	_ =	swait.ge [sflag:s10], $0x3200  }
0x80: {  	[sflag:s10] =	ssyncset.done $0x0  }
0x81: {  	[sflag:s10] =	ssyncadd.s32 $0xFFFFCE00  }
0x82: {  	_ =	swait.ge [sflag:s10], $0x3200  }
0x83: {  	[sflag:s10] =	ssyncset.done $0x0  }
0x84: {  	[sflag:s10] =	ssyncadd.s32 $0xFFFFCE00  }
0x85: {  	_ =	swait.ge [sflag:s10], $0x3200  }
0x86: {  	[sflag:s10] =	ssyncset.done $0x0  }
0x87: {  	[sflag:s10] =	ssyncadd.s32 $0xFFFFCE00  }
0x88: {  	_ =	swait.ge [sflag:s10], $0x3200  }
0x89: {  	p5 =	por p4, p4;
	p6 =	seq.s32 s14, $0x1;
	[sflag:s10] =	ssyncset.done $0x0  }
0x8a: {  	p0 =	por p6, p5;
	[sflag:s10] =	ssyncadd.s32 $0xFFFFCE00  }
0x8b: {  	s6 =	smul.u32 @p0 $0xD000, s15;
	_ =	strace $0x9000004B  }
0x8c: {  	s14 =	simm.s32 @p0 $0x3400;
	_ =	strace @p0 $0x8000004C  }
0x8d: {  	s1 =	sor.u32 @p0 $0x4, s1;
	s6 =	sshrl.u32 @p0 s6, $0x3;
	s0 =	rddreg [dreg:$0x5]  }
0x8e: {  	s8 =	sadd.s32 s25, s16;
	s9 =	simm.s32 @p0 $0x3200;
	s0 =	sadd.s32 @p0 s0, s6  }
0x8f: {  	[hbm4b:s0+s9] =	stream.strided.scatter @p0 [tilespmem:s7], [sflag:s1], $0xC800, s14, s9, $0x200038;
	[tilespmem:$0x1B340] =	vst v63  }
0x90: {  	s0 =	sand.u32 @!p1 $0x1, s8;
	p1 =	por p1, p1;
	_ =	strace @p0 $0x9000004C  }
0x91: {  	s0 =	sor.u32 @!p1 $0x4, s0;
	_ =	strace @!p1 $0x8000004D  }
0x92: {  	_ =	swait.ge @!p1 [sflag:s0], $0xC800  }
0x93: {  	[sflag:s0] =	ssyncset.done @!p1 $0x0  }
0x94: {  	[sflag:s0] =	ssyncadd.s32 @!p1 $0xFFFF3800  }
0x95: {  	_ =	strace @!p1 $0x9000004D  }
0x96: {  	_ =	strace $0x8000004E  }
0x97: {  	_ =	swait.ge [sflag:s12], $0xC800  }
0x98: {  	s13 =	sadd.s32 $0x1, s13;
	s31 =	rddreg [dreg:$0x7]  }
0x99: {  	p0 =	sne.s32 s13, s31  }
.Ltmp1:
0x9a: {  	_ = 	snop;
	(pc) =	sbr.rel @p0 .LBB2_1-.Ltmp1, $4  }
0x9b: {  	_ = 	snop  }
0x9c: {  	[sflag:s12] =	ssyncset.done $0x0  }
0x9d: {  	[sflag:s12] =	ssyncadd.s32 $0xFFFF3800  }
0x9e: {  	_ =	strace $0x9000004E  }
0x9f: {  	_ =	sfence.sel $0x180000  }
0xa0: {  	[bflag:$0x0] =	sbarrier.arrive $0xFFFF  }
0xa1: {  	_ =	strace $0x90000047  }
0xa2: {  	[bflag:$0x2] =	sbarrier.arrive $0xFFFF  }
0xa3: {  	s1 =	sld [smem:$0x7FD];
	_ =	sdelay $0x2  }
0xa4: {  	s0 =	rddreg [dreg:$0x4];
	p0 =	seq.s32 s1, $0x1  }
0xa5: {  	s0 =	sadd.s32 @!p0 $0x100000, s0  }
0xa6: {  	[sflag:s0] =	ssyncadd.tile.s32 @!p0 $0x1;
	_ =	shalt  }
.Lfunc_end2:
_tile_overlayer_lowered:
.L_overlay_start_2:
0xa7: {  	(tag) =	ssettag $0x2  }
0xa8: {  	s0 =	rddreg [dreg:$0x0];
	s2 =	stileid.u32  }
0xa9: {  	s1 =	rddreg [dreg:$0x1];
	p0 =	sne.s32 s2, $0x0  }
0xaa: {  	s3 =	rddreg [dreg:$0x2];
	[bflag:$0x3] =	sbarrier.arrive $0xFFFF;
	s2 =	simm.s32 @!p0 $0x1C02  }
0xab: {  	[timem:s3], [sflag:s2] =	dma.local @!p0 [hbm:s0], s1  }
0xac: {  	s0 =	simm.s32 @!p0 $0x2  }
0xad: {  	_ =	swait.ge @!p0 [sflag:s0], s1  }
0xae: {  	s1 =	ssub.s32 @!p0 $0x0, s1;
	[sflag:s0] =	ssyncset.done @!p0 $0x0  }
0xaf: {  	[sflag:s0] =	ssyncadd.s32 @!p0 s1  }
0xb0: {  	[bflag:$0x3] =	sbarrier.arrive $0xFFFF  }
0xb1: {  	_ =	shalt  }

</sc_bundles>
